<compile_context>
chip_gen: v7x
topology: tpu7x:2x2x1
jax: 0.10.2.dev20260603
libtpu: 0.0.44.dev20260713+nightly
codegen_flags: <defaults>
</compile_context>

<pallas_src>
import functools

import jax
import jax.numpy as jnp
from jax import lax
from jax.experimental import pallas as pl
from jax.experimental.pallas import tpu as pltpu
from jax.experimental.pallas import tpu_sc as plsc

R, C = 128, 32768
L = 16
NC, NS = 2, 16
NW = NC * NS
ROWS_PER_W = R // NW
U = 8
STRIDE = U * L


def _scan_row(inbuf, lanes):
    neg_inf = jnp.full((L,), -jnp.inf, jnp.float32)
    zero_i = jnp.zeros((L,), jnp.int32)

    def body(i, carry):
        vmaxs, vidxs, cidx = carry
        new_vmaxs = []
        new_vidxs = []
        for a in range(U):
            v = inbuf[pl.ds(i * STRIDE + a * L, L)]
            m = v > vmaxs[a]
            new_vmaxs.append(jnp.where(m, v, vmaxs[a]))
            new_vidxs.append(jnp.where(m, cidx, vidxs[a]))
        return tuple(new_vmaxs), tuple(new_vidxs), cidx + STRIDE

    vmaxs, vidxs, _ = lax.fori_loop(
        0,
        C // STRIDE,
        body,
        ((neg_inf,) * U, (zero_i,) * U, zero_i),
    )
    vidxs = [vidxs[a] + (a * L) + lanes for a in range(U)]
    vmaxs = list(vmaxs)
    n = U
    while n > 1:
        n //= 2
        for a in range(n):
            ov, oi = vmaxs[a + n], vidxs[a + n]
            better = (ov > vmaxs[a]) | ((ov == vmaxs[a]) & (oi < vidxs[a]))
            vmaxs[a] = jnp.where(better, ov, vmaxs[a])
            vidxs[a] = jnp.where(better, oi, vidxs[a])
    gmax = jnp.max(vmaxs[0])
    cand = jnp.where(vmaxs[0] == gmax, vidxs[0], jnp.int32(C))
    return jnp.min(cand)


def _body(
    x_hbm, out_hbm, inbuf0, inbuf1, zbuf, pbuf, sem_in, sem_z, sem_p
):
    wid = lax.axis_index("s") * NC + lax.axis_index("c")
    lanes = lax.iota(jnp.int32, L)
    zeros_v = jnp.zeros((L,), jnp.float32)
    ones_v = jnp.ones((L,), jnp.float32)
    lane0 = lanes == 0
    r0 = wid * ROWS_PER_W
    inbufs = [inbuf0, inbuf1]

    cp_in = pltpu.async_copy(x_hbm.at[r0], inbufs[0], sem_in)

    def zbody(i, _):
        for a in range(U):
            zbuf[pl.ds(i * STRIDE + a * L, L)] = zeros_v
        return 0

    lax.fori_loop(0, C // STRIDE, zbody, 0)
    for k in range(ROWS_PER_W):
        pbuf[pl.ds(k * L, L)] = zeros_v

    zcps = [
        pltpu.async_copy(zbuf, out_hbm.at[r0 + k], sem_z)
        for k in range(ROWS_PER_W)
    ]

    segs = []
    for k in range(ROWS_PER_W):
        cp_in.wait()
        if k + 1 < ROWS_PER_W:
            cp_in = pltpu.async_copy(
                x_hbm.at[r0 + k + 1], inbufs[(k + 1) % 2], sem_in
            )
        idx = _scan_row(inbufs[k % 2], lanes)
        seg = pl.multiple_of((idx // L) * L, L)
        off = jnp.full((L,), k * L, jnp.int32) + (idx - seg)
        plsc.store_scatter(pbuf, [off], ones_v, mask=lane0)
        segs.append(seg)

    for z in zcps:
        z.wait()
    pcps = [
        pltpu.async_copy(
            pbuf.at[pl.ds(k * L, L)],
            out_hbm.at[r0 + k, pl.ds(segs[k], L)],
            sem_p,
        )
        for k in range(ROWS_PER_W)
    ]
    for p in pcps:
        p.wait()


@jax.jit
def kernel(x):
    mesh = plsc.VectorSubcoreMesh(
        core_axis_name="c", subcore_axis_name="s", num_cores=NC, num_subcores=NS
    )
    f = functools.partial(
        pl.kernel,
        mesh=mesh,
        out_type=jax.ShapeDtypeStruct((R, C), jnp.float32),
        scratch_types=[
            pltpu.VMEM((C,), jnp.float32),
            pltpu.VMEM((C,), jnp.float32),
            pltpu.VMEM((C,), jnp.float32),
            pltpu.VMEM((ROWS_PER_W * L,), jnp.float32),
            pltpu.SemaphoreType.DMA,
            pltpu.SemaphoreType.DMA,
            pltpu.SemaphoreType.DMA,
        ],
        compiler_params=pltpu.CompilerParams(needs_layout_passes=False),
    )(_body)
    return f(x)

# --- scband reference (transcript-rebuilt; emitter-appended) ---
"""Pipeline reference for scband-output-normalization-34961033789930 (READ-ONLY COPY).

The authoritative reference and input builder live on the scoring server;
editing this copy changes nothing except your own understanding.
"""

import jax, jax.numpy as jnp
import numpy as np

def setup_inputs(seed: int = 0) -> dict:
    key = jax.random.key(seed)
    x = jax.random.normal(key, (128, 32768), dtype=jnp.float32)
    return {"x": x}

def reference(x):
    # torch: zeros_like(x).scatter_(1, x.argmax(dim=1, keepdim=True), 1.0)
    idx = jnp.argmax(x, axis=1)
    rows = jnp.arange(x.shape[0])
    one_hot_encoded = jnp.zeros_like(x).at[rows, idx].set(1.0)
    return one_hot_encoded

if __name__ == "__main__":
    import jax
    _d = setup_inputs()
    print(jax.jit(kernel)(*tuple(_d.values())))

</pallas_src>

<mosaic_0001>
#map = affine_map<(d0, d1) -> (0, 0)>
module attributes {stable_mosaic.version = 14 : i64} {
  func.func @_body(%arg0: i32, %arg1: i32, %arg2: memref<128x32768xf32, #tpu.memory_space<hbm>>, %arg3: memref<128x32768xf32, #tpu.memory_space<hbm>>, %arg4: memref<32768xf32, #tpu.memory_space<vmem>>, %arg5: memref<32768xf32, #tpu.memory_space<vmem>>, %arg6: memref<32768xf32, #tpu.memory_space<vmem>>, %arg7: memref<64xf32, #tpu.memory_space<vmem>>, %arg8: memref<!tpu.dma_semaphore, #tpu.memory_space<semaphore_mem>>, %arg9: memref<!tpu.dma_semaphore, #tpu.memory_space<semaphore_mem>>, %arg10: memref<!tpu.dma_semaphore, #tpu.memory_space<semaphore_mem>>) attributes {dimension_semantics = [#tpu.dimension_semantics<core_parallel>, #tpu.dimension_semantics<subcore_parallel>], iteration_bounds = array<i64: 2, 16>, scalar_prefetch = 0 : i64, scratch_operands = 7 : i64, tpu.core_type = #tpu.core_type<sc_vector_subcore>, window_params = [{transform_indices = #map}, {transform_indices = #map}]} {
    %mul3A = arith.constant 2 : i32
    %mul3A_0 = arith.muli %arg1, %mul3A : i32
    %add3A = arith.addi %mul3A_0, %arg0 : i32
    %iota3A = tpu.iota {dimensions = array<i32: 0>} : vector<16xi32>
    %broadcast_in_dim3A = arith.constant 0.000000e+00 : f32
    %broadcast_in_dim3A_1 = vector.broadcast %broadcast_in_dim3A : f32 to vector<16xf32>
    %broadcast_in_dim3A_2 = arith.constant 1.000000e+00 : f32
    %broadcast_in_dim3A_3 = vector.broadcast %broadcast_in_dim3A_2 : f32 to vector<16xf32>
    %eq3A = arith.constant 0 : i32
    %eq3A_4 = vector.broadcast %eq3A : i32 to vector<16xi32>
    %eq3A_5 = arith.cmpi eq, %iota3A, %eq3A_4 : vector<16xi32>
    %mul3A_6 = arith.constant 4 : i32
    %mul3A_7 = arith.muli %add3A, %mul3A_6 : i32
    %dma_start3A = arith.constant 0 : i32
    %dma_start3A_8 = tpu.memref_slice %arg2[%mul3A_7, %dma_start3A] : memref<128x32768xf32, #tpu.memory_space<hbm>> -> memref<1x32768xf32, #tpu.memory_space<hbm>>
    %dma_start3A_9 = tpu.memref_squeeze %dma_start3A_8 : memref<1x32768xf32, #tpu.memory_space<hbm>> -> memref<32768xf32, #tpu.memory_space<hbm>>
    %dma_start3A_10 = arith.constant 0 : i32
    %dma_start3A_11 = tpu.memref_slice %arg2[%mul3A_7, %dma_start3A_10] : memref<128x32768xf32, #tpu.memory_space<hbm>> -> memref<1x32768xf32, #tpu.memory_space<hbm>>
    %dma_start3A_12 = tpu.memref_squeeze %dma_start3A_11 : memref<1x32768xf32, #tpu.memory_space<hbm>> -> memref<32768xf32, #tpu.memory_space<hbm>>
    tpu.enqueue_dma source(%dma_start3A_12 : memref<32768xf32, #tpu.memory_space<hbm>>) target(%arg4 : memref<32768xf32, #tpu.memory_space<vmem>>) target_semaphore(%arg8 : memref<!tpu.dma_semaphore, #tpu.memory_space<semaphore_mem>>)
    %scan3A = arith.constant 0 : i32
    %scan3A_13 = arith.constant 0 : i32
    %scan3A_14 = arith.constant 256 : i32
    %scan3A_15 = arith.addi %scan3A_13, %scan3A_14 : i32
    %scan3A_16 = arith.constant 1 : i32
    %scan3A_17 = scf.for %scan3A_753 = %scan3A_13 to %scan3A_15 step %scan3A_16 iter_args(%scan3A_754 = %scan3A) -> (i32)  : i32 {
      %mul3A_755 = arith.constant 128 : i32
      %mul3A_756 = arith.muli %scan3A_753, %mul3A_755 : i32
      %add3A_757 = arith.constant 0 : i32
      %add3A_758 = arith.addi %mul3A_756, %add3A_757 : i32
      %swap3A_759 = arith.index_cast %add3A_758 : i32 to index
      %swap3A_760 = tpu.vector_load %arg6[%swap3A_759] {strides = array<i32>} : memref<32768xf32, #tpu.memory_space<vmem>>, vector<16xf32>,
      tpu.vector_store %arg6[%swap3A_759], %broadcast_in_dim3A_1 {strides = array<i32>} : memref<32768xf32, #tpu.memory_space<vmem>>, vector<16xf32>,
      %mul3A_761 = arith.constant 128 : i32
      %mul3A_762 = arith.muli %scan3A_753, %mul3A_761 : i32
      %add3A_763 = arith.constant 16 : i32
      %add3A_764 = arith.addi %mul3A_762, %add3A_763 : i32
      %swap3A_765 = arith.index_cast %add3A_764 : i32 to index
      %swap3A_766 = tpu.vector_load %arg6[%swap3A_765] {strides = array<i32>} : memref<32768xf32, #tpu.memory_space<vmem>>, vector<16xf32>,
      tpu.vector_store %arg6[%swap3A_765], %broadcast_in_dim3A_1 {strides = array<i32>} : memref<32768xf32, #tpu.memory_space<vmem>>, vector<16xf32>,
      %mul3A_767 = arith.constant 128 : i32
      %mul3A_768 = arith.muli %scan3A_753, %mul3A_767 : i32
      %add3A_769 = arith.constant 32 : i32
      %add3A_770 = arith.addi %mul3A_768, %add3A_769 : i32
      %swap3A_771 = arith.index_cast %add3A_770 : i32 to index
      %swap3A_772 = tpu.vector_load %arg6[%swap3A_771] {strides = array<i32>} : memref<32768xf32, #tpu.memory_space<vmem>>, vector<16xf32>,
      tpu.vector_store %arg6[%swap3A_771], %broadcast_in_dim3A_1 {strides = array<i32>} : memref<32768xf32, #tpu.memory_space<vmem>>, vector<16xf32>,
      %mul3A_773 = arith.constant 128 : i32
      %mul3A_774 = arith.muli %scan3A_753, %mul3A_773 : i32
      %add3A_775 = arith.constant 48 : i32
      %add3A_776 = arith.addi %mul3A_774, %add3A_775 : i32
      %swap3A_777 = arith.index_cast %add3A_776 : i32 to index
      %swap3A_778 = tpu.vector_load %arg6[%swap3A_777] {strides = array<i32>} : memref<32768xf32, #tpu.memory_space<vmem>>, vector<16xf32>,
      tpu.vector_store %arg6[%swap3A_777], %broadcast_in_dim3A_1 {strides = array<i32>} : memref<32768xf32, #tpu.memory_space<vmem>>, vector<16xf32>,
      %mul3A_779 = arith.constant 128 : i32
      %mul3A_780 = arith.muli %scan3A_753, %mul3A_779 : i32
      %add3A_781 = arith.constant 64 : i32
      %add3A_782 = arith.addi %mul3A_780, %add3A_781 : i32
      %swap3A_783 = arith.index_cast %add3A_782 : i32 to index
      %swap3A_784 = tpu.vector_load %arg6[%swap3A_783] {strides = array<i32>} : memref<32768xf32, #tpu.memory_space<vmem>>, vector<16xf32>,
      tpu.vector_store %arg6[%swap3A_783], %broadcast_in_dim3A_1 {strides = array<i32>} : memref<32768xf32, #tpu.memory_space<vmem>>, vector<16xf32>,
      %mul3A_785 = arith.constant 128 : i32
      %mul3A_786 = arith.muli %scan3A_753, %mul3A_785 : i32
      %add3A_787 = arith.constant 80 : i32
      %add3A_788 = arith.addi %mul3A_786, %add3A_787 : i32
      %swap3A_789 = arith.index_cast %add3A_788 : i32 to index
      %swap3A_790 = tpu.vector_load %arg6[%swap3A_789] {strides = array<i32>} : memref<32768xf32, #tpu.memory_space<vmem>>, vector<16xf32>,
      tpu.vector_store %arg6[%swap3A_789], %broadcast_in_dim3A_1 {strides = array<i32>} : memref<32768xf32, #tpu.memory_space<vmem>>, vector<16xf32>,
      %mul3A_791 = arith.constant 128 : i32
      %mul3A_792 = arith.muli %scan3A_753, %mul3A_791 : i32
      %add3A_793 = arith.constant 96 : i32
      %add3A_794 = arith.addi %mul3A_792, %add3A_793 : i32
      %swap3A_795 = arith.index_cast %add3A_794 : i32 to index
      %swap3A_796 = tpu.vector_load %arg6[%swap3A_795] {strides = array<i32>} : memref<32768xf32, #tpu.memory_space<vmem>>, vector<16xf32>,
      tpu.vector_store %arg6[%swap3A_795], %broadcast_in_dim3A_1 {strides = array<i32>} : memref<32768xf32, #tpu.memory_space<vmem>>, vector<16xf32>,
      %mul3A_797 = arith.constant 128 : i32
      %mul3A_798 = arith.muli %scan3A_753, %mul3A_797 : i32
      %add3A_799 = arith.constant 112 : i32
      %add3A_800 = arith.addi %mul3A_798, %add3A_799 : i32
      %swap3A_801 = arith.index_cast %add3A_800 : i32 to index
      %swap3A_802 = tpu.vector_load %arg6[%swap3A_801] {strides = array<i32>} : memref<32768xf32, #tpu.memory_space<vmem>>, vector<16xf32>,
      tpu.vector_store %arg6[%swap3A_801], %broadcast_in_dim3A_1 {strides = array<i32>} : memref<32768xf32, #tpu.memory_space<vmem>>, vector<16xf32>,
      %scan3A_803 = arith.constant 0 : i32
      scf.yield %scan3A_803 : i32
    }
    %scan3A_18 = arith.constant 256 : i32
    %swap3A = arith.constant 0 : index
    %swap3A_19 = tpu.vector_load %arg7[%swap3A] {strides = array<i32>} : memref<64xf32, #tpu.memory_space<vmem>>, vector<16xf32>,
    tpu.vector_store %arg7[%swap3A], %broadcast_in_dim3A_1 {strides = array<i32>} : memref<64xf32, #tpu.memory_space<vmem>>, vector<16xf32>,
    %swap3A_20 = arith.constant 16 : index
    %swap3A_21 = tpu.vector_load %arg7[%swap3A_20] {strides = array<i32>} : memref<64xf32, #tpu.memory_space<vmem>>, vector<16xf32>,
    tpu.vector_store %arg7[%swap3A_20], %broadcast_in_dim3A_1 {strides = array<i32>} : memref<64xf32, #tpu.memory_space<vmem>>, vector<16xf32>,
    %swap3A_22 = arith.constant 32 : index
    %swap3A_23 = tpu.vector_load %arg7[%swap3A_22] {strides = array<i32>} : memref<64xf32, #tpu.memory_space<vmem>>, vector<16xf32>,
    tpu.vector_store %arg7[%swap3A_22], %broadcast_in_dim3A_1 {strides = array<i32>} : memref<64xf32, #tpu.memory_space<vmem>>, vector<16xf32>,
    %swap3A_24 = arith.constant 48 : index
    %swap3A_25 = tpu.vector_load %arg7[%swap3A_24] {strides = array<i32>} : memref<64xf32, #tpu.memory_space<vmem>>, vector<16xf32>,
    tpu.vector_store %arg7[%swap3A_24], %broadcast_in_dim3A_1 {strides = array<i32>} : memref<64xf32, #tpu.memory_space<vmem>>, vector<16xf32>,
    %add3A_26 = arith.constant 0 : i32
    %add3A_27 = arith.addi %mul3A_7, %add3A_26 : i32
    %dma_start3A_28 = arith.constant 0 : i32
    %dma_start3A_29 = tpu.memref_slice %arg3[%add3A_27, %dma_start3A_28] : memref<128x32768xf32, #tpu.memory_space<hbm>> -> memref<1x32768xf32, #tpu.memory_space<hbm>>
    %dma_start3A_30 = tpu.memref_squeeze %dma_start3A_29 : memref<1x32768xf32, #tpu.memory_space<hbm>> -> memref<32768xf32, #tpu.memory_space<hbm>>
    %dma_start3A_31 = arith.constant 0 : i32
    %dma_start3A_32 = tpu.memref_slice %arg3[%add3A_27, %dma_start3A_31] : memref<128x32768xf32, #tpu.memory_space<hbm>> -> memref<1x32768xf32, #tpu.memory_space<hbm>>
    %dma_start3A_33 = tpu.memref_squeeze %dma_start3A_32 : memref<1x32768xf32, #tpu.memory_space<hbm>> -> memref<32768xf32, #tpu.memory_space<hbm>>
    tpu.enqueue_dma source(%arg6 : memref<32768xf32, #tpu.memory_space<vmem>>) target(%dma_start3A_33 : memref<32768xf32, #tpu.memory_space<hbm>>) target_semaphore(%arg9 : memref<!tpu.dma_semaphore, #tpu.memory_space<semaphore_mem>>)
    %add3A_34 = arith.constant 1 : i32
    %add3A_35 = arith.addi %mul3A_7, %add3A_34 : i32
    %dma_start3A_36 = arith.constant 0 : i32
    %dma_start3A_37 = tpu.memref_slice %arg3[%add3A_35, %dma_start3A_36] : memref<128x32768xf32, #tpu.memory_space<hbm>> -> memref<1x32768xf32, #tpu.memory_space<hbm>>
    %dma_start3A_38 = tpu.memref_squeeze %dma_start3A_37 : memref<1x32768xf32, #tpu.memory_space<hbm>> -> memref<32768xf32, #tpu.memory_space<hbm>>
    %dma_start3A_39 = arith.constant 0 : i32
    %dma_start3A_40 = tpu.memref_slice %arg3[%add3A_35, %dma_start3A_39] : memref<128x32768xf32, #tpu.memory_space<hbm>> -> memref<1x32768xf32, #tpu.memory_space<hbm>>
    %dma_start3A_41 = tpu.memref_squeeze %dma_start3A_40 : memref<1x32768xf32, #tpu.memory_space<hbm>> -> memref<32768xf32, #tpu.memory_space<hbm>>
    tpu.enqueue_dma source(%arg6 : memref<32768xf32, #tpu.memory_space<vmem>>) target(%dma_start3A_41 : memref<32768xf32, #tpu.memory_space<hbm>>) target_semaphore(%arg9 : memref<!tpu.dma_semaphore, #tpu.memory_space<semaphore_mem>>)
    %add3A_42 = arith.constant 2 : i32
    %add3A_43 = arith.addi %mul3A_7, %add3A_42 : i32
    %dma_start3A_44 = arith.constant 0 : i32
    %dma_start3A_45 = tpu.memref_slice %arg3[%add3A_43, %dma_start3A_44] : memref<128x32768xf32, #tpu.memory_space<hbm>> -> memref<1x32768xf32, #tpu.memory_space<hbm>>
    %dma_start3A_46 = tpu.memref_squeeze %dma_start3A_45 : memref<1x32768xf32, #tpu.memory_space<hbm>> -> memref<32768xf32, #tpu.memory_space<hbm>>
    %dma_start3A_47 = arith.constant 0 : i32
    %dma_start3A_48 = tpu.memref_slice %arg3[%add3A_43, %dma_start3A_47] : memref<128x32768xf32, #tpu.memory_space<hbm>> -> memref<1x32768xf32, #tpu.memory_space<hbm>>
    %dma_start3A_49 = tpu.memref_squeeze %dma_start3A_48 : memref<1x32768xf32, #tpu.memory_space<hbm>> -> memref<32768xf32, #tpu.memory_space<hbm>>
    tpu.enqueue_dma source(%arg6 : memref<32768xf32, #tpu.memory_space<vmem>>) target(%dma_start3A_49 : memref<32768xf32, #tpu.memory_space<hbm>>) target_semaphore(%arg9 : memref<!tpu.dma_semaphore, #tpu.memory_space<semaphore_mem>>)
    %add3A_50 = arith.constant 3 : i32
    %add3A_51 = arith.addi %mul3A_7, %add3A_50 : i32
    %dma_start3A_52 = arith.constant 0 : i32
    %dma_start3A_53 = tpu.memref_slice %arg3[%add3A_51, %dma_start3A_52] : memref<128x32768xf32, #tpu.memory_space<hbm>> -> memref<1x32768xf32, #tpu.memory_space<hbm>>
    %dma_start3A_54 = tpu.memref_squeeze %dma_start3A_53 : memref<1x32768xf32, #tpu.memory_space<hbm>> -> memref<32768xf32, #tpu.memory_space<hbm>>
    %dma_start3A_55 = arith.constant 0 : i32
    %dma_start3A_56 = tpu.memref_slice %arg3[%add3A_51, %dma_start3A_55] : memref<128x32768xf32, #tpu.memory_space<hbm>> -> memref<1x32768xf32, #tpu.memory_space<hbm>>
    %dma_start3A_57 = tpu.memref_squeeze %dma_start3A_56 : memref<1x32768xf32, #tpu.memory_space<hbm>> -> memref<32768xf32, #tpu.memory_space<hbm>>
    tpu.enqueue_dma source(%arg6 : memref<32768xf32, #tpu.memory_space<vmem>>) target(%dma_start3A_57 : memref<32768xf32, #tpu.memory_space<hbm>>) target_semaphore(%arg9 : memref<!tpu.dma_semaphore, #tpu.memory_space<semaphore_mem>>)
    %dma_wait3A = arith.constant 0 : i32
    %dma_wait3A_58 = tpu.memref_slice %arg2[%mul3A_7, %dma_wait3A] : memref<128x32768xf32, #tpu.memory_space<hbm>> -> memref<1x32768xf32, #tpu.memory_space<hbm>>
    %dma_wait3A_59 = tpu.memref_squeeze %dma_wait3A_58 : memref<1x32768xf32, #tpu.memory_space<hbm>> -> memref<32768xf32, #tpu.memory_space<hbm>>
    %dma_wait3A_60 = arith.constant 0 : i32
    %dma_wait3A_61 = tpu.memref_slice %arg2[%mul3A_7, %dma_wait3A_60] : memref<128x32768xf32, #tpu.memory_space<hbm>> -> memref<1x32768xf32, #tpu.memory_space<hbm>>
    %dma_wait3A_62 = tpu.memref_squeeze %dma_wait3A_61 : memref<1x32768xf32, #tpu.memory_space<hbm>> -> memref<32768xf32, #tpu.memory_space<hbm>>
    tpu.wait_dma2 semaphore(%arg8 : memref<!tpu.dma_semaphore, #tpu.memory_space<semaphore_mem>>) src(%dma_wait3A_62 : memref<32768xf32, #tpu.memory_space<hbm>>) dst(%arg4 : memref<32768xf32, #tpu.memory_space<vmem>>)
    %add3A_63 = arith.constant 0 : i32
    %add3A_64 = arith.addi %mul3A_7, %add3A_63 : i32
    %add3A_65 = arith.constant 1 : i32
    %add3A_66 = arith.addi %add3A_64, %add3A_65 : i32
    %dma_start3A_67 = arith.constant 0 : i32
    %dma_start3A_68 = tpu.memref_slice %arg2[%add3A_66, %dma_start3A_67] : memref<128x32768xf32, #tpu.memory_space<hbm>> -> memref<1x32768xf32, #tpu.memory_space<hbm>>
    %dma_start3A_69 = tpu.memref_squeeze %dma_start3A_68 : memref<1x32768xf32, #tpu.memory_space<hbm>> -> memref<32768xf32, #tpu.memory_space<hbm>>
    %dma_start3A_70 = arith.constant 0 : i32
    %dma_start3A_71 = tpu.memref_slice %arg2[%add3A_66, %dma_start3A_70] : memref<128x32768xf32, #tpu.memory_space<hbm>> -> memref<1x32768xf32, #tpu.memory_space<hbm>>
    %dma_start3A_72 = tpu.memref_squeeze %dma_start3A_71 : memref<1x32768xf32, #tpu.memory_space<hbm>> -> memref<32768xf32, #tpu.memory_space<hbm>>
    tpu.enqueue_dma source(%dma_start3A_72 : memref<32768xf32, #tpu.memory_space<hbm>>) target(%arg5 : memref<32768xf32, #tpu.memory_space<vmem>>) target_semaphore(%arg8 : memref<!tpu.dma_semaphore, #tpu.memory_space<semaphore_mem>>)
    %broadcast_in_dim3A_73 = arith.constant 0xFF800000 : f32
    %broadcast_in_dim3A_74 = vector.broadcast %broadcast_in_dim3A_73 : f32 to vector<16xf32>
    %broadcast_in_dim3A_75 = arith.constant 0 : i32
    %broadcast_in_dim3A_76 = vector.broadcast %broadcast_in_dim3A_75 : i32 to vector<16xi32>
    %scan3A_77 = arith.constant 0 : i32
    %scan3A_78 = arith.constant 256 : i32
    %scan3A_79 = arith.addi %scan3A_77, %scan3A_78 : i32
    %scan3A_80 = arith.constant 1 : i32
    %scan3A_81:17 = scf.for %scan3A_753 = %scan3A_77 to %scan3A_79 step %scan3A_80 iter_args(%scan3A_754 = %broadcast_in_dim3A_74, %scan3A_755 = %broadcast_in_dim3A_74, %scan3A_756 = %broadcast_in_dim3A_74, %scan3A_757 = %broadcast_in_dim3A_74, %scan3A_758 = %broadcast_in_dim3A_74, %scan3A_759 = %broadcast_in_dim3A_74, %scan3A_760 = %broadcast_in_dim3A_74, %scan3A_761 = %broadcast_in_dim3A_74, %scan3A_762 = %broadcast_in_dim3A_76, %scan3A_763 = %broadcast_in_dim3A_76, %scan3A_764 = %broadcast_in_dim3A_76, %scan3A_765 = %broadcast_in_dim3A_76, %scan3A_766 = %broadcast_in_dim3A_76, %scan3A_767 = %broadcast_in_dim3A_76, %scan3A_768 = %broadcast_in_dim3A_76, %scan3A_769 = %broadcast_in_dim3A_76, %scan3A_770 = %broadcast_in_dim3A_76) -> (vector<16xf32>, vector<16xf32>, vector<16xf32>, vector<16xf32>, vector<16xf32>, vector<16xf32>, vector<16xf32>, vector<16xf32>, vector<16xi32>, vector<16xi32>, vector<16xi32>, vector<16xi32>, vector<16xi32>, vector<16xi32>, vector<16xi32>, vector<16xi32>, vector<16xi32>)  : i32 {
      %mul3A_771 = arith.constant 128 : i32
      %mul3A_772 = arith.muli %scan3A_753, %mul3A_771 : i32
      %add3A_773 = arith.constant 0 : i32
      %add3A_774 = arith.addi %mul3A_772, %add3A_773 : i32
      %get3A = arith.index_cast %add3A_774 : i32 to index
      %get3A_775 = tpu.vector_load %arg4[%get3A] {strides = array<i32>} : memref<32768xf32, #tpu.memory_space<vmem>>, vector<16xf32>,
      %gt3A_776 = arith.cmpf ogt, %get3A_775, %scan3A_754 : vector<16xf32>
      %select_n3A_777 = arith.select %gt3A_776, %get3A_775, %scan3A_754 : vector<16xi1>, vector<16xf32>
      %select_n3A_778 = arith.select %gt3A_776, %scan3A_770, %scan3A_762 : vector<16xi1>, vector<16xi32>
      %mul3A_779 = arith.constant 128 : i32
      %mul3A_780 = arith.muli %scan3A_753, %mul3A_779 : i32
      %add3A_781 = arith.constant 16 : i32
      %add3A_782 = arith.addi %mul3A_780, %add3A_781 : i32
      %get3A_783 = arith.index_cast %add3A_782 : i32 to index
      %get3A_784 = tpu.vector_load %arg4[%get3A_783] {strides = array<i32>} : memref<32768xf32, #tpu.memory_space<vmem>>, vector<16xf32>,
      %gt3A_785 = arith.cmpf ogt, %get3A_784, %scan3A_755 : vector<16xf32>
      %select_n3A_786 = arith.select %gt3A_785, %get3A_784, %scan3A_755 : vector<16xi1>, vector<16xf32>
      %select_n3A_787 = arith.select %gt3A_785, %scan3A_770, %scan3A_763 : vector<16xi1>, vector<16xi32>
      %mul3A_788 = arith.constant 128 : i32
      %mul3A_789 = arith.muli %scan3A_753, %mul3A_788 : i32
      %add3A_790 = arith.constant 32 : i32
      %add3A_791 = arith.addi %mul3A_789, %add3A_790 : i32
      %get3A_792 = arith.index_cast %add3A_791 : i32 to index
      %get3A_793 = tpu.vector_load %arg4[%get3A_792] {strides = array<i32>} : memref<32768xf32, #tpu.memory_space<vmem>>, vector<16xf32>,
      %gt3A_794 = arith.cmpf ogt, %get3A_793, %scan3A_756 : vector<16xf32>
      %select_n3A_795 = arith.select %gt3A_794, %get3A_793, %scan3A_756 : vector<16xi1>, vector<16xf32>
      %select_n3A_796 = arith.select %gt3A_794, %scan3A_770, %scan3A_764 : vector<16xi1>, vector<16xi32>
      %mul3A_797 = arith.constant 128 : i32
      %mul3A_798 = arith.muli %scan3A_753, %mul3A_797 : i32
      %add3A_799 = arith.constant 48 : i32
      %add3A_800 = arith.addi %mul3A_798, %add3A_799 : i32
      %get3A_801 = arith.index_cast %add3A_800 : i32 to index
      %get3A_802 = tpu.vector_load %arg4[%get3A_801] {strides = array<i32>} : memref<32768xf32, #tpu.memory_space<vmem>>, vector<16xf32>,
      %gt3A_803 = arith.cmpf ogt, %get3A_802, %scan3A_757 : vector<16xf32>
      %select_n3A_804 = arith.select %gt3A_803, %get3A_802, %scan3A_757 : vector<16xi1>, vector<16xf32>
      %select_n3A_805 = arith.select %gt3A_803, %scan3A_770, %scan3A_765 : vector<16xi1>, vector<16xi32>
      %mul3A_806 = arith.constant 128 : i32
      %mul3A_807 = arith.muli %scan3A_753, %mul3A_806 : i32
      %add3A_808 = arith.constant 64 : i32
      %add3A_809 = arith.addi %mul3A_807, %add3A_808 : i32
      %get3A_810 = arith.index_cast %add3A_809 : i32 to index
      %get3A_811 = tpu.vector_load %arg4[%get3A_810] {strides = array<i32>} : memref<32768xf32, #tpu.memory_space<vmem>>, vector<16xf32>,
      %gt3A_812 = arith.cmpf ogt, %get3A_811, %scan3A_758 : vector<16xf32>
      %select_n3A_813 = arith.select %gt3A_812, %get3A_811, %scan3A_758 : vector<16xi1>, vector<16xf32>
      %select_n3A_814 = arith.select %gt3A_812, %scan3A_770, %scan3A_766 : vector<16xi1>, vector<16xi32>
      %mul3A_815 = arith.constant 128 : i32
      %mul3A_816 = arith.muli %scan3A_753, %mul3A_815 : i32
      %add3A_817 = arith.constant 80 : i32
      %add3A_818 = arith.addi %mul3A_816, %add3A_817 : i32
      %get3A_819 = arith.index_cast %add3A_818 : i32 to index
      %get3A_820 = tpu.vector_load %arg4[%get3A_819] {strides = array<i32>} : memref<32768xf32, #tpu.memory_space<vmem>>, vector<16xf32>,
      %gt3A_821 = arith.cmpf ogt, %get3A_820, %scan3A_759 : vector<16xf32>
      %select_n3A_822 = arith.select %gt3A_821, %get3A_820, %scan3A_759 : vector<16xi1>, vector<16xf32>
      %select_n3A_823 = arith.select %gt3A_821, %scan3A_770, %scan3A_767 : vector<16xi1>, vector<16xi32>
      %mul3A_824 = arith.constant 128 : i32
      %mul3A_825 = arith.muli %scan3A_753, %mul3A_824 : i32
      %add3A_826 = arith.constant 96 : i32
      %add3A_827 = arith.addi %mul3A_825, %add3A_826 : i32
      %get3A_828 = arith.index_cast %add3A_827 : i32 to index
      %get3A_829 = tpu.vector_load %arg4[%get3A_828] {strides = array<i32>} : memref<32768xf32, #tpu.memory_space<vmem>>, vector<16xf32>,
      %gt3A_830 = arith.cmpf ogt, %get3A_829, %scan3A_760 : vector<16xf32>
      %select_n3A_831 = arith.select %gt3A_830, %get3A_829, %scan3A_760 : vector<16xi1>, vector<16xf32>
      %select_n3A_832 = arith.select %gt3A_830, %scan3A_770, %scan3A_768 : vector<16xi1>, vector<16xi32>
      %mul3A_833 = arith.constant 128 : i32
      %mul3A_834 = arith.muli %scan3A_753, %mul3A_833 : i32
      %add3A_835 = arith.constant 112 : i32
      %add3A_836 = arith.addi %mul3A_834, %add3A_835 : i32
      %get3A_837 = arith.index_cast %add3A_836 : i32 to index
      %get3A_838 = tpu.vector_load %arg4[%get3A_837] {strides = array<i32>} : memref<32768xf32, #tpu.memory_space<vmem>>, vector<16xf32>,
      %gt3A_839 = arith.cmpf ogt, %get3A_838, %scan3A_761 : vector<16xf32>
      %select_n3A_840 = arith.select %gt3A_839, %get3A_838, %scan3A_761 : vector<16xi1>, vector<16xf32>
      %select_n3A_841 = arith.select %gt3A_839, %scan3A_770, %scan3A_769 : vector<16xi1>, vector<16xi32>
      %add3A_842 = arith.constant 128 : i32
      %add3A_843 = vector.broadcast %add3A_842 : i32 to vector<16xi32>
      %add3A_844 = arith.addi %scan3A_770, %add3A_843 : vector<16xi32>
      scf.yield %select_n3A_777, %select_n3A_786, %select_n3A_795, %select_n3A_804, %select_n3A_813, %select_n3A_822, %select_n3A_831, %select_n3A_840, %select_n3A_778, %select_n3A_787, %select_n3A_796, %select_n3A_805, %select_n3A_814, %select_n3A_823, %select_n3A_832, %select_n3A_841, %add3A_844 : vector<16xf32>, vector<16xf32>, vector<16xf32>, vector<16xf32>, vector<16xf32>, vector<16xf32>, vector<16xf32>, vector<16xf32>, vector<16xi32>, vector<16xi32>, vector<16xi32>, vector<16xi32>, vector<16xi32>, vector<16xi32>, vector<16xi32>, vector<16xi32>, vector<16xi32>
    }
    %scan3A_82 = arith.constant 256 : i32
    %add3A_83 = arith.constant 0 : i32
    %add3A_84 = vector.broadcast %add3A_83 : i32 to vector<16xi32>
    %add3A_85 = arith.addi %scan3A_81#8, %add3A_84 : vector<16xi32>
    %add3A_86 = arith.addi %add3A_85, %iota3A : vector<16xi32>
    %add3A_87 = arith.constant 16 : i32
    %add3A_88 = vector.broadcast %add3A_87 : i32 to vector<16xi32>
    %add3A_89 = arith.addi %scan3A_81#9, %add3A_88 : vector<16xi32>
    %add3A_90 = arith.addi %add3A_89, %iota3A : vector<16xi32>
    %add3A_91 = arith.constant 32 : i32
    %add3A_92 = vector.broadcast %add3A_91 : i32 to vector<16xi32>
    %add3A_93 = arith.addi %scan3A_81#10, %add3A_92 : vector<16xi32>
    %add3A_94 = arith.addi %add3A_93, %iota3A : vector<16xi32>
    %add3A_95 = arith.constant 48 : i32
    %add3A_96 = vector.broadcast %add3A_95 : i32 to vector<16xi32>
    %add3A_97 = arith.addi %scan3A_81#11, %add3A_96 : vector<16xi32>
    %add3A_98 = arith.addi %add3A_97, %iota3A : vector<16xi32>
    %add3A_99 = arith.constant 64 : i32
    %add3A_100 = vector.broadcast %add3A_99 : i32 to vector<16xi32>
    %add3A_101 = arith.addi %scan3A_81#12, %add3A_100 : vector<16xi32>
    %add3A_102 = arith.addi %add3A_101, %iota3A : vector<16xi32>
    %add3A_103 = arith.constant 80 : i32
    %add3A_104 = vector.broadcast %add3A_103 : i32 to vector<16xi32>
    %add3A_105 = arith.addi %scan3A_81#13, %add3A_104 : vector<16xi32>
    %add3A_106 = arith.addi %add3A_105, %iota3A : vector<16xi32>
    %add3A_107 = arith.constant 96 : i32
    %add3A_108 = vector.broadcast %add3A_107 : i32 to vector<16xi32>
    %add3A_109 = arith.addi %scan3A_81#14, %add3A_108 : vector<16xi32>
    %add3A_110 = arith.addi %add3A_109, %iota3A : vector<16xi32>
    %add3A_111 = arith.constant 112 : i32
    %add3A_112 = vector.broadcast %add3A_111 : i32 to vector<16xi32>
    %add3A_113 = arith.addi %scan3A_81#15, %add3A_112 : vector<16xi32>
    %add3A_114 = arith.addi %add3A_113, %iota3A : vector<16xi32>
    %gt3A = arith.cmpf ogt, %scan3A_81#4, %scan3A_81#0 : vector<16xf32>
    %eq3A_115 = arith.cmpf oeq, %scan3A_81#4, %scan3A_81#0 : vector<16xf32>
    %lt3A = arith.cmpi slt, %add3A_102, %add3A_86 : vector<16xi32>
    %and3A = arith.andi %eq3A_115, %lt3A : vector<16xi1>
    %or3A = arith.ori %gt3A, %and3A : vector<16xi1>
    %select_n3A = arith.select %or3A, %scan3A_81#4, %scan3A_81#0 : vector<16xi1>, vector<16xf32>
    %select_n3A_116 = arith.select %or3A, %add3A_102, %add3A_86 : vector<16xi1>, vector<16xi32>
    %gt3A_117 = arith.cmpf ogt, %scan3A_81#5, %scan3A_81#1 : vector<16xf32>
    %eq3A_118 = arith.cmpf oeq, %scan3A_81#5, %scan3A_81#1 : vector<16xf32>
    %lt3A_119 = arith.cmpi slt, %add3A_106, %add3A_90 : vector<16xi32>
    %and3A_120 = arith.andi %eq3A_118, %lt3A_119 : vector<16xi1>
    %or3A_121 = arith.ori %gt3A_117, %and3A_120 : vector<16xi1>
    %select_n3A_122 = arith.select %or3A_121, %scan3A_81#5, %scan3A_81#1 : vector<16xi1>, vector<16xf32>
    %select_n3A_123 = arith.select %or3A_121, %add3A_106, %add3A_90 : vector<16xi1>, vector<16xi32>
    %gt3A_124 = arith.cmpf ogt, %scan3A_81#6, %scan3A_81#2 : vector<16xf32>
    %eq3A_125 = arith.cmpf oeq, %scan3A_81#6, %scan3A_81#2 : vector<16xf32>
    %lt3A_126 = arith.cmpi slt, %add3A_110, %add3A_94 : vector<16xi32>
    %and3A_127 = arith.andi %eq3A_125, %lt3A_126 : vector<16xi1>
    %or3A_128 = arith.ori %gt3A_124, %and3A_127 : vector<16xi1>
    %select_n3A_129 = arith.select %or3A_128, %scan3A_81#6, %scan3A_81#2 : vector<16xi1>, vector<16xf32>
    %select_n3A_130 = arith.select %or3A_128, %add3A_110, %add3A_94 : vector<16xi1>, vector<16xi32>
    %gt3A_131 = arith.cmpf ogt, %scan3A_81#7, %scan3A_81#3 : vector<16xf32>
    %eq3A_132 = arith.cmpf oeq, %scan3A_81#7, %scan3A_81#3 : vector<16xf32>
    %lt3A_133 = arith.cmpi slt, %add3A_114, %add3A_98 : vector<16xi32>
    %and3A_134 = arith.andi %eq3A_132, %lt3A_133 : vector<16xi1>
    %or3A_135 = arith.ori %gt3A_131, %and3A_134 : vector<16xi1>
    %select_n3A_136 = arith.select %or3A_135, %scan3A_81#7, %scan3A_81#3 : vector<16xi1>, vector<16xf32>
    %select_n3A_137 = arith.select %or3A_135, %add3A_114, %add3A_98 : vector<16xi1>, vector<16xi32>
    %gt3A_138 = arith.cmpf ogt, %select_n3A_129, %select_n3A : vector<16xf32>
    %eq3A_139 = arith.cmpf oeq, %select_n3A_129, %select_n3A : vector<16xf32>
    %lt3A_140 = arith.cmpi slt, %select_n3A_130, %select_n3A_116 : vector<16xi32>
    %and3A_141 = arith.andi %eq3A_139, %lt3A_140 : vector<16xi1>
    %or3A_142 = arith.ori %gt3A_138, %and3A_141 : vector<16xi1>
    %select_n3A_143 = arith.select %or3A_142, %select_n3A_129, %select_n3A : vector<16xi1>, vector<16xf32>
    %select_n3A_144 = arith.select %or3A_142, %select_n3A_130, %select_n3A_116 : vector<16xi1>, vector<16xi32>
    %gt3A_145 = arith.cmpf ogt, %select_n3A_136, %select_n3A_122 : vector<16xf32>
    %eq3A_146 = arith.cmpf oeq, %select_n3A_136, %select_n3A_122 : vector<16xf32>
    %lt3A_147 = arith.cmpi slt, %select_n3A_137, %select_n3A_123 : vector<16xi32>
    %and3A_148 = arith.andi %eq3A_146, %lt3A_147 : vector<16xi1>
    %or3A_149 = arith.ori %gt3A_145, %and3A_148 : vector<16xi1>
    %select_n3A_150 = arith.select %or3A_149, %select_n3A_136, %select_n3A_122 : vector<16xi1>, vector<16xf32>
    %select_n3A_151 = arith.select %or3A_149, %select_n3A_137, %select_n3A_123 : vector<16xi1>, vector<16xi32>
    %gt3A_152 = arith.cmpf ogt, %select_n3A_150, %select_n3A_143 : vector<16xf32>
    %eq3A_153 = arith.cmpf oeq, %select_n3A_150, %select_n3A_143 : vector<16xf32>
    %lt3A_154 = arith.cmpi slt, %select_n3A_151, %select_n3A_144 : vector<16xi32>
    %and3A_155 = arith.andi %eq3A_153, %lt3A_154 : vector<16xi1>
    %or3A_156 = arith.ori %gt3A_152, %and3A_155 : vector<16xi1>
    %select_n3A_157 = arith.select %or3A_156, %select_n3A_150, %select_n3A_143 : vector<16xi1>, vector<16xf32>
    %select_n3A_158 = arith.select %or3A_156, %select_n3A_151, %select_n3A_144 : vector<16xi1>, vector<16xi32>
    %reduce_max3A = arith.constant true
    %reduce_max3A_159 = vector.broadcast %reduce_max3A : i1 to vector<16xi1>
    %reduce_max3A_160 = tpu.scan <max>, %select_n3A_157 masked %reduce_max3A_159 : vector<16xf32>, vector<16xi1> -> vector<16xf32>
    %reduce_max3A_161 = vector.extract %reduce_max3A_160[15] : f32 from vector<16xf32>
    %eq3A_162 = vector.broadcast %reduce_max3A_161 : f32 to vector<16xf32>
    %eq3A_163 = arith.cmpf oeq, %select_n3A_157, %eq3A_162 : vector<16xf32>
    %jit3A = arith.constant 32768 : i32
    %broadcast_in_dim3A_164 = vector.broadcast %jit3A : i32 to vector<16xi32>
    %select_n3A_165 = arith.select %eq3A_163, %select_n3A_158, %broadcast_in_dim3A_164 : vector<16xi1>, vector<16xi32>
    %reduce_min3A = arith.constant true
    %reduce_min3A_166 = vector.broadcast %reduce_min3A : i1 to vector<16xi1>
    %reduce_min3A_167 = arith.constant -2147483648 : i32
    %reduce_min3A_168 = vector.broadcast %reduce_min3A_167 : i32 to vector<16xi32>
    %reduce_min3A_169 = arith.xori %select_n3A_165, %reduce_min3A_168 : vector<16xi32>
    %reduce_min3A_170 = tpu.scan <min>, %reduce_min3A_169 masked %reduce_min3A_166 : vector<16xi32>, vector<16xi1> -> vector<16xi32>
    %reduce_min3A_171 = arith.xori %reduce_min3A_170, %reduce_min3A_168 : vector<16xi32>
    %reduce_min3A_172 = vector.extract %reduce_min3A_171[15] : i32 from vector<16xi32>
    %jit3A_173 = arith.constant 16 : i32
    %div3A = arith.divsi %reduce_min3A_172, %jit3A_173 : i32
    %sign3A = arith.constant 0 : i32
    %sign3A_174 = arith.cmpi sgt, %reduce_min3A_172, %sign3A : i32
    %sign3A_175 = arith.extui %sign3A_174 : i1 to i32
    %sign3A_176 = arith.constant 0 : i32
    %sign3A_177 = arith.cmpi slt, %reduce_min3A_172, %sign3A_176 : i32
    %sign3A_178 = arith.extui %sign3A_177 : i1 to i32
    %sign3A_179 = arith.subi %sign3A_175, %sign3A_178 : i32
    %sign3A_180 = arith.constant 0 : i32
    %sign3A_181 = arith.cmpi sgt, %jit3A_173, %sign3A_180 : i32
    %sign3A_182 = arith.extui %sign3A_181 : i1 to i32
    %sign3A_183 = arith.constant 0 : i32
    %sign3A_184 = arith.cmpi slt, %jit3A_173, %sign3A_183 : i32
    %sign3A_185 = arith.extui %sign3A_184 : i1 to i32
    %sign3A_186 = arith.subi %sign3A_182, %sign3A_185 : i32
    %ne3A = arith.cmpi ne, %sign3A_179, %sign3A_186 : i32
    %rem3A = arith.remsi %reduce_min3A_172, %jit3A_173 : i32
    %ne3A_187 = arith.constant 0 : i32
    %ne3A_188 = arith.cmpi ne, %rem3A, %ne3A_187 : i32
    %and3A_189 = arith.andi %ne3A, %ne3A_188 : i1
    %sub3A = arith.constant 1 : i32
    %sub3A_190 = arith.subi %div3A, %sub3A : i32
    %select_n3A_191 = arith.select %and3A_189, %sub3A_190, %div3A : i32
    %mul3A_192 = arith.constant 16 : i32
    %mul3A_193 = arith.muli %select_n3A_191, %mul3A_192 : i32
    %multiple_of3A = tpu.assume_multiple %mul3A_193, 16 : i32
    %broadcast_in_dim3A_194 = arith.constant 0 : i32
    %broadcast_in_dim3A_195 = vector.broadcast %broadcast_in_dim3A_194 : i32 to vector<16xi32>
    %sub3A_196 = arith.subi %reduce_min3A_172, %multiple_of3A : i32
    %add3A_197 = vector.broadcast %sub3A_196 : i32 to vector<16xi32>
    %add3A_198 = arith.addi %broadcast_in_dim3A_195, %add3A_197 : vector<16xi32>
    tpu.vector_store_idx %arg7[%add3A_198], %broadcast_in_dim3A_3 masked %eq3A_5 : memref<64xf32, #tpu.memory_space<vmem>>[vector<16xi32>], vector<16xf32>, vector<16xi1>
    %dma_wait3A_199 = arith.constant 0 : i32
    %dma_wait3A_200 = tpu.memref_slice %arg2[%add3A_66, %dma_wait3A_199] : memref<128x32768xf32, #tpu.memory_space<hbm>> -> memref<1x32768xf32, #tpu.memory_space<hbm>>
    %dma_wait3A_201 = tpu.memref_squeeze %dma_wait3A_200 : memref<1x32768xf32, #tpu.memory_space<hbm>> -> memref<32768xf32, #tpu.memory_space<hbm>>
    %dma_wait3A_202 = arith.constant 0 : i32
    %dma_wait3A_203 = tpu.memref_slice %arg2[%add3A_66, %dma_wait3A_202] : memref<128x32768xf32, #tpu.memory_space<hbm>> -> memref<1x32768xf32, #tpu.memory_space<hbm>>
    %dma_wait3A_204 = tpu.memref_squeeze %dma_wait3A_203 : memref<1x32768xf32, #tpu.memory_space<hbm>> -> memref<32768xf32, #tpu.memory_space<hbm>>
    tpu.wait_dma2 semaphore(%arg8 : memref<!tpu.dma_semaphore, #tpu.memory_space<semaphore_mem>>) src(%dma_wait3A_204 : memref<32768xf32, #tpu.memory_space<hbm>>) dst(%arg5 : memref<32768xf32, #tpu.memory_space<vmem>>)
    %add3A_205 = arith.constant 1 : i32
    %add3A_206 = arith.addi %mul3A_7, %add3A_205 : i32
    %add3A_207 = arith.constant 1 : i32
    %add3A_208 = arith.addi %add3A_206, %add3A_207 : i32
    %dma_start3A_209 = arith.constant 0 : i32
    %dma_start3A_210 = tpu.memref_slice %arg2[%add3A_208, %dma_start3A_209] : memref<128x32768xf32, #tpu.memory_space<hbm>> -> memref<1x32768xf32, #tpu.memory_space<hbm>>
    %dma_start3A_211 = tpu.memref_squeeze %dma_start3A_210 : memref<1x32768xf32, #tpu.memory_space<hbm>> -> memref<32768xf32, #tpu.memory_space<hbm>>
    %dma_start3A_212 = arith.constant 0 : i32
    %dma_start3A_213 = tpu.memref_slice %arg2[%add3A_208, %dma_start3A_212] : memref<128x32768xf32, #tpu.memory_space<hbm>> -> memref<1x32768xf32, #tpu.memory_space<hbm>>
    %dma_start3A_214 = tpu.memref_squeeze %dma_start3A_213 : memref<1x32768xf32, #tpu.memory_space<hbm>> -> memref<32768xf32, #tpu.memory_space<hbm>>
    tpu.enqueue_dma source(%dma_start3A_214 : memref<32768xf32, #tpu.memory_space<hbm>>) target(%arg4 : memref<32768xf32, #tpu.memory_space<vmem>>) target_semaphore(%arg8 : memref<!tpu.dma_semaphore, #tpu.memory_space<semaphore_mem>>)
    %broadcast_in_dim3A_215 = arith.constant 0xFF800000 : f32
    %broadcast_in_dim3A_216 = vector.broadcast %broadcast_in_dim3A_215 : f32 to vector<16xf32>
    %broadcast_in_dim3A_217 = arith.constant 0 : i32
    %broadcast_in_dim3A_218 = vector.broadcast %broadcast_in_dim3A_217 : i32 to vector<16xi32>
    %scan3A_219 = arith.constant 0 : i32
    %scan3A_220 = arith.constant 256 : i32
    %scan3A_221 = arith.addi %scan3A_219, %scan3A_220 : i32
    %scan3A_222 = arith.constant 1 : i32
    %scan3A_223:17 = scf.for %scan3A_753 = %scan3A_219 to %scan3A_221 step %scan3A_222 iter_args(%scan3A_754 = %broadcast_in_dim3A_216, %scan3A_755 = %broadcast_in_dim3A_216, %scan3A_756 = %broadcast_in_dim3A_216, %scan3A_757 = %broadcast_in_dim3A_216, %scan3A_758 = %broadcast_in_dim3A_216, %scan3A_759 = %broadcast_in_dim3A_216, %scan3A_760 = %broadcast_in_dim3A_216, %scan3A_761 = %broadcast_in_dim3A_216, %scan3A_762 = %broadcast_in_dim3A_218, %scan3A_763 = %broadcast_in_dim3A_218, %scan3A_764 = %broadcast_in_dim3A_218, %scan3A_765 = %broadcast_in_dim3A_218, %scan3A_766 = %broadcast_in_dim3A_218, %scan3A_767 = %broadcast_in_dim3A_218, %scan3A_768 = %broadcast_in_dim3A_218, %scan3A_769 = %broadcast_in_dim3A_218, %scan3A_770 = %broadcast_in_dim3A_218) -> (vector<16xf32>, vector<16xf32>, vector<16xf32>, vector<16xf32>, vector<16xf32>, vector<16xf32>, vector<16xf32>, vector<16xf32>, vector<16xi32>, vector<16xi32>, vector<16xi32>, vector<16xi32>, vector<16xi32>, vector<16xi32>, vector<16xi32>, vector<16xi32>, vector<16xi32>)  : i32 {
      %mul3A_771 = arith.constant 128 : i32
      %mul3A_772 = arith.muli %scan3A_753, %mul3A_771 : i32
      %add3A_773 = arith.constant 0 : i32
      %add3A_774 = arith.addi %mul3A_772, %add3A_773 : i32
      %get3A = arith.index_cast %add3A_774 : i32 to index
      %get3A_775 = tpu.vector_load %arg5[%get3A] {strides = array<i32>} : memref<32768xf32, #tpu.memory_space<vmem>>, vector<16xf32>,
      %gt3A_776 = arith.cmpf ogt, %get3A_775, %scan3A_754 : vector<16xf32>
      %select_n3A_777 = arith.select %gt3A_776, %get3A_775, %scan3A_754 : vector<16xi1>, vector<16xf32>
      %select_n3A_778 = arith.select %gt3A_776, %scan3A_770, %scan3A_762 : vector<16xi1>, vector<16xi32>
      %mul3A_779 = arith.constant 128 : i32
      %mul3A_780 = arith.muli %scan3A_753, %mul3A_779 : i32
      %add3A_781 = arith.constant 16 : i32
      %add3A_782 = arith.addi %mul3A_780, %add3A_781 : i32
      %get3A_783 = arith.index_cast %add3A_782 : i32 to index
      %get3A_784 = tpu.vector_load %arg5[%get3A_783] {strides = array<i32>} : memref<32768xf32, #tpu.memory_space<vmem>>, vector<16xf32>,
      %gt3A_785 = arith.cmpf ogt, %get3A_784, %scan3A_755 : vector<16xf32>
      %select_n3A_786 = arith.select %gt3A_785, %get3A_784, %scan3A_755 : vector<16xi1>, vector<16xf32>
      %select_n3A_787 = arith.select %gt3A_785, %scan3A_770, %scan3A_763 : vector<16xi1>, vector<16xi32>
      %mul3A_788 = arith.constant 128 : i32
      %mul3A_789 = arith.muli %scan3A_753, %mul3A_788 : i32
      %add3A_790 = arith.constant 32 : i32
      %add3A_791 = arith.addi %mul3A_789, %add3A_790 : i32
      %get3A_792 = arith.index_cast %add3A_791 : i32 to index
      %get3A_793 = tpu.vector_load %arg5[%get3A_792] {strides = array<i32>} : memref<32768xf32, #tpu.memory_space<vmem>>, vector<16xf32>,
      %gt3A_794 = arith.cmpf ogt, %get3A_793, %scan3A_756 : vector<16xf32>
      %select_n3A_795 = arith.select %gt3A_794, %get3A_793, %scan3A_756 : vector<16xi1>, vector<16xf32>
      %select_n3A_796 = arith.select %gt3A_794, %scan3A_770, %scan3A_764 : vector<16xi1>, vector<16xi32>
      %mul3A_797 = arith.constant 128 : i32
      %mul3A_798 = arith.muli %scan3A_753, %mul3A_797 : i32
      %add3A_799 = arith.constant 48 : i32
      %add3A_800 = arith.addi %mul3A_798, %add3A_799 : i32
      %get3A_801 = arith.index_cast %add3A_800 : i32 to index
      %get3A_802 = tpu.vector_load %arg5[%get3A_801] {strides = array<i32>} : memref<32768xf32, #tpu.memory_space<vmem>>, vector<16xf32>,
      %gt3A_803 = arith.cmpf ogt, %get3A_802, %scan3A_757 : vector<16xf32>
      %select_n3A_804 = arith.select %gt3A_803, %get3A_802, %scan3A_757 : vector<16xi1>, vector<16xf32>
      %select_n3A_805 = arith.select %gt3A_803, %scan3A_770, %scan3A_765 : vector<16xi1>, vector<16xi32>
      %mul3A_806 = arith.constant 128 : i32
      %mul3A_807 = arith.muli %scan3A_753, %mul3A_806 : i32
      %add3A_808 = arith.constant 64 : i32
      %add3A_809 = arith.addi %mul3A_807, %add3A_808 : i32
      %get3A_810 = arith.index_cast %add3A_809 : i32 to index
      %get3A_811 = tpu.vector_load %arg5[%get3A_810] {strides = array<i32>} : memref<32768xf32, #tpu.memory_space<vmem>>, vector<16xf32>,
      %gt3A_812 = arith.cmpf ogt, %get3A_811, %scan3A_758 : vector<16xf32>
      %select_n3A_813 = arith.select %gt3A_812, %get3A_811, %scan3A_758 : vector<16xi1>, vector<16xf32>
      %select_n3A_814 = arith.select %gt3A_812, %scan3A_770, %scan3A_766 : vector<16xi1>, vector<16xi32>
      %mul3A_815 = arith.constant 128 : i32
      %mul3A_816 = arith.muli %scan3A_753, %mul3A_815 : i32
      %add3A_817 = arith.constant 80 : i32
      %add3A_818 = arith.addi %mul3A_816, %add3A_817 : i32
      %get3A_819 = arith.index_cast %add3A_818 : i32 to index
      %get3A_820 = tpu.vector_load %arg5[%get3A_819] {strides = array<i32>} : memref<32768xf32, #tpu.memory_space<vmem>>, vector<16xf32>,
      %gt3A_821 = arith.cmpf ogt, %get3A_820, %scan3A_759 : vector<16xf32>
      %select_n3A_822 = arith.select %gt3A_821, %get3A_820, %scan3A_759 : vector<16xi1>, vector<16xf32>
      %select_n3A_823 = arith.select %gt3A_821, %scan3A_770, %scan3A_767 : vector<16xi1>, vector<16xi32>
      %mul3A_824 = arith.constant 128 : i32
      %mul3A_825 = arith.muli %scan3A_753, %mul3A_824 : i32
      %add3A_826 = arith.constant 96 : i32
      %add3A_827 = arith.addi %mul3A_825, %add3A_826 : i32
      %get3A_828 = arith.index_cast %add3A_827 : i32 to index
      %get3A_829 = tpu.vector_load %arg5[%get3A_828] {strides = array<i32>} : memref<32768xf32, #tpu.memory_space<vmem>>, vector<16xf32>,
      %gt3A_830 = arith.cmpf ogt, %get3A_829, %scan3A_760 : vector<16xf32>
      %select_n3A_831 = arith.select %gt3A_830, %get3A_829, %scan3A_760 : vector<16xi1>, vector<16xf32>
      %select_n3A_832 = arith.select %gt3A_830, %scan3A_770, %scan3A_768 : vector<16xi1>, vector<16xi32>
      %mul3A_833 = arith.constant 128 : i32
      %mul3A_834 = arith.muli %scan3A_753, %mul3A_833 : i32
      %add3A_835 = arith.constant 112 : i32
      %add3A_836 = arith.addi %mul3A_834, %add3A_835 : i32
      %get3A_837 = arith.index_cast %add3A_836 : i32 to index
      %get3A_838 = tpu.vector_load %arg5[%get3A_837] {strides = array<i32>} : memref<32768xf32, #tpu.memory_space<vmem>>, vector<16xf32>,
      %gt3A_839 = arith.cmpf ogt, %get3A_838, %scan3A_761 : vector<16xf32>
      %select_n3A_840 = arith.select %gt3A_839, %get3A_838, %scan3A_761 : vector<16xi1>, vector<16xf32>
      %select_n3A_841 = arith.select %gt3A_839, %scan3A_770, %scan3A_769 : vector<16xi1>, vector<16xi32>
      %add3A_842 = arith.constant 128 : i32
      %add3A_843 = vector.broadcast %add3A_842 : i32 to vector<16xi32>
      %add3A_844 = arith.addi %scan3A_770, %add3A_843 : vector<16xi32>
      scf.yield %select_n3A_777, %select_n3A_786, %select_n3A_795, %select_n3A_804, %select_n3A_813, %select_n3A_822, %select_n3A_831, %select_n3A_840, %select_n3A_778, %select_n3A_787, %select_n3A_796, %select_n3A_805, %select_n3A_814, %select_n3A_823, %select_n3A_832, %select_n3A_841, %add3A_844 : vector<16xf32>, vector<16xf32>, vector<16xf32>, vector<16xf32>, vector<16xf32>, vector<16xf32>, vector<16xf32>, vector<16xf32>, vector<16xi32>, vector<16xi32>, vector<16xi32>, vector<16xi32>, vector<16xi32>, vector<16xi32>, vector<16xi32>, vector<16xi32>, vector<16xi32>
    }
    %scan3A_224 = arith.constant 256 : i32
    %add3A_225 = arith.constant 0 : i32
    %add3A_226 = vector.broadcast %add3A_225 : i32 to vector<16xi32>
    %add3A_227 = arith.addi %scan3A_223#8, %add3A_226 : vector<16xi32>
    %add3A_228 = arith.addi %add3A_227, %iota3A : vector<16xi32>
    %add3A_229 = arith.constant 16 : i32
    %add3A_230 = vector.broadcast %add3A_229 : i32 to vector<16xi32>
    %add3A_231 = arith.addi %scan3A_223#9, %add3A_230 : vector<16xi32>
    %add3A_232 = arith.addi %add3A_231, %iota3A : vector<16xi32>
    %add3A_233 = arith.constant 32 : i32
    %add3A_234 = vector.broadcast %add3A_233 : i32 to vector<16xi32>
    %add3A_235 = arith.addi %scan3A_223#10, %add3A_234 : vector<16xi32>
    %add3A_236 = arith.addi %add3A_235, %iota3A : vector<16xi32>
    %add3A_237 = arith.constant 48 : i32
    %add3A_238 = vector.broadcast %add3A_237 : i32 to vector<16xi32>
    %add3A_239 = arith.addi %scan3A_223#11, %add3A_238 : vector<16xi32>
    %add3A_240 = arith.addi %add3A_239, %iota3A : vector<16xi32>
    %add3A_241 = arith.constant 64 : i32
    %add3A_242 = vector.broadcast %add3A_241 : i32 to vector<16xi32>
    %add3A_243 = arith.addi %scan3A_223#12, %add3A_242 : vector<16xi32>
    %add3A_244 = arith.addi %add3A_243, %iota3A : vector<16xi32>
    %add3A_245 = arith.constant 80 : i32
    %add3A_246 = vector.broadcast %add3A_245 : i32 to vector<16xi32>
    %add3A_247 = arith.addi %scan3A_223#13, %add3A_246 : vector<16xi32>
    %add3A_248 = arith.addi %add3A_247, %iota3A : vector<16xi32>
    %add3A_249 = arith.constant 96 : i32
    %add3A_250 = vector.broadcast %add3A_249 : i32 to vector<16xi32>
    %add3A_251 = arith.addi %scan3A_223#14, %add3A_250 : vector<16xi32>
    %add3A_252 = arith.addi %add3A_251, %iota3A : vector<16xi32>
    %add3A_253 = arith.constant 112 : i32
    %add3A_254 = vector.broadcast %add3A_253 : i32 to vector<16xi32>
    %add3A_255 = arith.addi %scan3A_223#15, %add3A_254 : vector<16xi32>
    %add3A_256 = arith.addi %add3A_255, %iota3A : vector<16xi32>
    %gt3A_257 = arith.cmpf ogt, %scan3A_223#4, %scan3A_223#0 : vector<16xf32>
    %eq3A_258 = arith.cmpf oeq, %scan3A_223#4, %scan3A_223#0 : vector<16xf32>
    %lt3A_259 = arith.cmpi slt, %add3A_244, %add3A_228 : vector<16xi32>
    %and3A_260 = arith.andi %eq3A_258, %lt3A_259 : vector<16xi1>
    %or3A_261 = arith.ori %gt3A_257, %and3A_260 : vector<16xi1>
    %select_n3A_262 = arith.select %or3A_261, %scan3A_223#4, %scan3A_223#0 : vector<16xi1>, vector<16xf32>
    %select_n3A_263 = arith.select %or3A_261, %add3A_244, %add3A_228 : vector<16xi1>, vector<16xi32>
    %gt3A_264 = arith.cmpf ogt, %scan3A_223#5, %scan3A_223#1 : vector<16xf32>
    %eq3A_265 = arith.cmpf oeq, %scan3A_223#5, %scan3A_223#1 : vector<16xf32>
    %lt3A_266 = arith.cmpi slt, %add3A_248, %add3A_232 : vector<16xi32>
    %and3A_267 = arith.andi %eq3A_265, %lt3A_266 : vector<16xi1>
    %or3A_268 = arith.ori %gt3A_264, %and3A_267 : vector<16xi1>
    %select_n3A_269 = arith.select %or3A_268, %scan3A_223#5, %scan3A_223#1 : vector<16xi1>, vector<16xf32>
    %select_n3A_270 = arith.select %or3A_268, %add3A_248, %add3A_232 : vector<16xi1>, vector<16xi32>
    %gt3A_271 = arith.cmpf ogt, %scan3A_223#6, %scan3A_223#2 : vector<16xf32>
    %eq3A_272 = arith.cmpf oeq, %scan3A_223#6, %scan3A_223#2 : vector<16xf32>
    %lt3A_273 = arith.cmpi slt, %add3A_252, %add3A_236 : vector<16xi32>
    %and3A_274 = arith.andi %eq3A_272, %lt3A_273 : vector<16xi1>
    %or3A_275 = arith.ori %gt3A_271, %and3A_274 : vector<16xi1>
    %select_n3A_276 = arith.select %or3A_275, %scan3A_223#6, %scan3A_223#2 : vector<16xi1>, vector<16xf32>
    %select_n3A_277 = arith.select %or3A_275, %add3A_252, %add3A_236 : vector<16xi1>, vector<16xi32>
    %gt3A_278 = arith.cmpf ogt, %scan3A_223#7, %scan3A_223#3 : vector<16xf32>
    %eq3A_279 = arith.cmpf oeq, %scan3A_223#7, %scan3A_223#3 : vector<16xf32>
    %lt3A_280 = arith.cmpi slt, %add3A_256, %add3A_240 : vector<16xi32>
    %and3A_281 = arith.andi %eq3A_279, %lt3A_280 : vector<16xi1>
    %or3A_282 = arith.ori %gt3A_278, %and3A_281 : vector<16xi1>
    %select_n3A_283 = arith.select %or3A_282, %scan3A_223#7, %scan3A_223#3 : vector<16xi1>, vector<16xf32>
    %select_n3A_284 = arith.select %or3A_282, %add3A_256, %add3A_240 : vector<16xi1>, vector<16xi32>
    %gt3A_285 = arith.cmpf ogt, %select_n3A_276, %select_n3A_262 : vector<16xf32>
    %eq3A_286 = arith.cmpf oeq, %select_n3A_276, %select_n3A_262 : vector<16xf32>
    %lt3A_287 = arith.cmpi slt, %select_n3A_277, %select_n3A_263 : vector<16xi32>
    %and3A_288 = arith.andi %eq3A_286, %lt3A_287 : vector<16xi1>
    %or3A_289 = arith.ori %gt3A_285, %and3A_288 : vector<16xi1>
    %select_n3A_290 = arith.select %or3A_289, %select_n3A_276, %select_n3A_262 : vector<16xi1>, vector<16xf32>
    %select_n3A_291 = arith.select %or3A_289, %select_n3A_277, %select_n3A_263 : vector<16xi1>, vector<16xi32>
    %gt3A_292 = arith.cmpf ogt, %select_n3A_283, %select_n3A_269 : vector<16xf32>
    %eq3A_293 = arith.cmpf oeq, %select_n3A_283, %select_n3A_269 : vector<16xf32>
    %lt3A_294 = arith.cmpi slt, %select_n3A_284, %select_n3A_270 : vector<16xi32>
    %and3A_295 = arith.andi %eq3A_293, %lt3A_294 : vector<16xi1>
    %or3A_296 = arith.ori %gt3A_292, %and3A_295 : vector<16xi1>
    %select_n3A_297 = arith.select %or3A_296, %select_n3A_283, %select_n3A_269 : vector<16xi1>, vector<16xf32>
    %select_n3A_298 = arith.select %or3A_296, %select_n3A_284, %select_n3A_270 : vector<16xi1>, vector<16xi32>
    %gt3A_299 = arith.cmpf ogt, %select_n3A_297, %select_n3A_290 : vector<16xf32>
    %eq3A_300 = arith.cmpf oeq, %select_n3A_297, %select_n3A_290 : vector<16xf32>
    %lt3A_301 = arith.cmpi slt, %select_n3A_298, %select_n3A_291 : vector<16xi32>
    %and3A_302 = arith.andi %eq3A_300, %lt3A_301 : vector<16xi1>
    %or3A_303 = arith.ori %gt3A_299, %and3A_302 : vector<16xi1>
    %select_n3A_304 = arith.select %or3A_303, %select_n3A_297, %select_n3A_290 : vector<16xi1>, vector<16xf32>
    %select_n3A_305 = arith.select %or3A_303, %select_n3A_298, %select_n3A_291 : vector<16xi1>, vector<16xi32>
    %reduce_max3A_306 = arith.constant true
    %reduce_max3A_307 = vector.broadcast %reduce_max3A_306 : i1 to vector<16xi1>
    %reduce_max3A_308 = tpu.scan <max>, %select_n3A_304 masked %reduce_max3A_307 : vector<16xf32>, vector<16xi1> -> vector<16xf32>
    %reduce_max3A_309 = vector.extract %reduce_max3A_308[15] : f32 from vector<16xf32>
    %eq3A_310 = vector.broadcast %reduce_max3A_309 : f32 to vector<16xf32>
    %eq3A_311 = arith.cmpf oeq, %select_n3A_304, %eq3A_310 : vector<16xf32>
    %jit3A_312 = arith.constant 32768 : i32
    %broadcast_in_dim3A_313 = vector.broadcast %jit3A_312 : i32 to vector<16xi32>
    %select_n3A_314 = arith.select %eq3A_311, %select_n3A_305, %broadcast_in_dim3A_313 : vector<16xi1>, vector<16xi32>
    %reduce_min3A_315 = arith.constant true
    %reduce_min3A_316 = vector.broadcast %reduce_min3A_315 : i1 to vector<16xi1>
    %reduce_min3A_317 = arith.constant -2147483648 : i32
    %reduce_min3A_318 = vector.broadcast %reduce_min3A_317 : i32 to vector<16xi32>
    %reduce_min3A_319 = arith.xori %select_n3A_314, %reduce_min3A_318 : vector<16xi32>
    %reduce_min3A_320 = tpu.scan <min>, %reduce_min3A_319 masked %reduce_min3A_316 : vector<16xi32>, vector<16xi1> -> vector<16xi32>
    %reduce_min3A_321 = arith.xori %reduce_min3A_320, %reduce_min3A_318 : vector<16xi32>
    %reduce_min3A_322 = vector.extract %reduce_min3A_321[15] : i32 from vector<16xi32>
    %jit3A_323 = arith.constant 16 : i32
    %div3A_324 = arith.divsi %reduce_min3A_322, %jit3A_323 : i32
    %sign3A_325 = arith.constant 0 : i32
    %sign3A_326 = arith.cmpi sgt, %reduce_min3A_322, %sign3A_325 : i32
    %sign3A_327 = arith.extui %sign3A_326 : i1 to i32
    %sign3A_328 = arith.constant 0 : i32
    %sign3A_329 = arith.cmpi slt, %reduce_min3A_322, %sign3A_328 : i32
    %sign3A_330 = arith.extui %sign3A_329 : i1 to i32
    %sign3A_331 = arith.subi %sign3A_327, %sign3A_330 : i32
    %sign3A_332 = arith.constant 0 : i32
    %sign3A_333 = arith.cmpi sgt, %jit3A_323, %sign3A_332 : i32
    %sign3A_334 = arith.extui %sign3A_333 : i1 to i32
    %sign3A_335 = arith.constant 0 : i32
    %sign3A_336 = arith.cmpi slt, %jit3A_323, %sign3A_335 : i32
    %sign3A_337 = arith.extui %sign3A_336 : i1 to i32
    %sign3A_338 = arith.subi %sign3A_334, %sign3A_337 : i32
    %ne3A_339 = arith.cmpi ne, %sign3A_331, %sign3A_338 : i32
    %rem3A_340 = arith.remsi %reduce_min3A_322, %jit3A_323 : i32
    %ne3A_341 = arith.constant 0 : i32
    %ne3A_342 = arith.cmpi ne, %rem3A_340, %ne3A_341 : i32
    %and3A_343 = arith.andi %ne3A_339, %ne3A_342 : i1
    %sub3A_344 = arith.constant 1 : i32
    %sub3A_345 = arith.subi %div3A_324, %sub3A_344 : i32
    %select_n3A_346 = arith.select %and3A_343, %sub3A_345, %div3A_324 : i32
    %mul3A_347 = arith.constant 16 : i32
    %mul3A_348 = arith.muli %select_n3A_346, %mul3A_347 : i32
    %multiple_of3A_349 = tpu.assume_multiple %mul3A_348, 16 : i32
    %broadcast_in_dim3A_350 = arith.constant 16 : i32
    %broadcast_in_dim3A_351 = vector.broadcast %broadcast_in_dim3A_350 : i32 to vector<16xi32>
    %sub3A_352 = arith.subi %reduce_min3A_322, %multiple_of3A_349 : i32
    %add3A_353 = vector.broadcast %sub3A_352 : i32 to vector<16xi32>
    %add3A_354 = arith.addi %broadcast_in_dim3A_351, %add3A_353 : vector<16xi32>
    tpu.vector_store_idx %arg7[%add3A_354], %broadcast_in_dim3A_3 masked %eq3A_5 : memref<64xf32, #tpu.memory_space<vmem>>[vector<16xi32>], vector<16xf32>, vector<16xi1>
    %dma_wait3A_355 = arith.constant 0 : i32
    %dma_wait3A_356 = tpu.memref_slice %arg2[%add3A_208, %dma_wait3A_355] : memref<128x32768xf32, #tpu.memory_space<hbm>> -> memref<1x32768xf32, #tpu.memory_space<hbm>>
    %dma_wait3A_357 = tpu.memref_squeeze %dma_wait3A_356 : memref<1x32768xf32, #tpu.memory_space<hbm>> -> memref<32768xf32, #tpu.memory_space<hbm>>
    %dma_wait3A_358 = arith.constant 0 : i32
    %dma_wait3A_359 = tpu.memref_slice %arg2[%add3A_208, %dma_wait3A_358] : memref<128x32768xf32, #tpu.memory_space<hbm>> -> memref<1x32768xf32, #tpu.memory_space<hbm>>
    %dma_wait3A_360 = tpu.memref_squeeze %dma_wait3A_359 : memref<1x32768xf32, #tpu.memory_space<hbm>> -> memref<32768xf32, #tpu.memory_space<hbm>>
    tpu.wait_dma2 semaphore(%arg8 : memref<!tpu.dma_semaphore, #tpu.memory_space<semaphore_mem>>) src(%dma_wait3A_360 : memref<32768xf32, #tpu.memory_space<hbm>>) dst(%arg4 : memref<32768xf32, #tpu.memory_space<vmem>>)
    %add3A_361 = arith.constant 2 : i32
    %add3A_362 = arith.addi %mul3A_7, %add3A_361 : i32
    %add3A_363 = arith.constant 1 : i32
    %add3A_364 = arith.addi %add3A_362, %add3A_363 : i32
    %dma_start3A_365 = arith.constant 0 : i32
    %dma_start3A_366 = tpu.memref_slice %arg2[%add3A_364, %dma_start3A_365] : memref<128x32768xf32, #tpu.memory_space<hbm>> -> memref<1x32768xf32, #tpu.memory_space<hbm>>
    %dma_start3A_367 = tpu.memref_squeeze %dma_start3A_366 : memref<1x32768xf32, #tpu.memory_space<hbm>> -> memref<32768xf32, #tpu.memory_space<hbm>>
    %dma_start3A_368 = arith.constant 0 : i32
    %dma_start3A_369 = tpu.memref_slice %arg2[%add3A_364, %dma_start3A_368] : memref<128x32768xf32, #tpu.memory_space<hbm>> -> memref<1x32768xf32, #tpu.memory_space<hbm>>
    %dma_start3A_370 = tpu.memref_squeeze %dma_start3A_369 : memref<1x32768xf32, #tpu.memory_space<hbm>> -> memref<32768xf32, #tpu.memory_space<hbm>>
    tpu.enqueue_dma source(%dma_start3A_370 : memref<32768xf32, #tpu.memory_space<hbm>>) target(%arg5 : memref<32768xf32, #tpu.memory_space<vmem>>) target_semaphore(%arg8 : memref<!tpu.dma_semaphore, #tpu.memory_space<semaphore_mem>>)
    %broadcast_in_dim3A_371 = arith.constant 0xFF800000 : f32
    %broadcast_in_dim3A_372 = vector.broadcast %broadcast_in_dim3A_371 : f32 to vector<16xf32>
    %broadcast_in_dim3A_373 = arith.constant 0 : i32
    %broadcast_in_dim3A_374 = vector.broadcast %broadcast_in_dim3A_373 : i32 to vector<16xi32>
    %scan3A_375 = arith.constant 0 : i32
    %scan3A_376 = arith.constant 256 : i32
    %scan3A_377 = arith.addi %scan3A_375, %scan3A_376 : i32
    %scan3A_378 = arith.constant 1 : i32
    %scan3A_379:17 = scf.for %scan3A_753 = %scan3A_375 to %scan3A_377 step %scan3A_378 iter_args(%scan3A_754 = %broadcast_in_dim3A_372, %scan3A_755 = %broadcast_in_dim3A_372, %scan3A_756 = %broadcast_in_dim3A_372, %scan3A_757 = %broadcast_in_dim3A_372, %scan3A_758 = %broadcast_in_dim3A_372, %scan3A_759 = %broadcast_in_dim3A_372, %scan3A_760 = %broadcast_in_dim3A_372, %scan3A_761 = %broadcast_in_dim3A_372, %scan3A_762 = %broadcast_in_dim3A_374, %scan3A_763 = %broadcast_in_dim3A_374, %scan3A_764 = %broadcast_in_dim3A_374, %scan3A_765 = %broadcast_in_dim3A_374, %scan3A_766 = %broadcast_in_dim3A_374, %scan3A_767 = %broadcast_in_dim3A_374, %scan3A_768 = %broadcast_in_dim3A_374, %scan3A_769 = %broadcast_in_dim3A_374, %scan3A_770 = %broadcast_in_dim3A_374) -> (vector<16xf32>, vector<16xf32>, vector<16xf32>, vector<16xf32>, vector<16xf32>, vector<16xf32>, vector<16xf32>, vector<16xf32>, vector<16xi32>, vector<16xi32>, vector<16xi32>, vector<16xi32>, vector<16xi32>, vector<16xi32>, vector<16xi32>, vector<16xi32>, vector<16xi32>)  : i32 {
      %mul3A_771 = arith.constant 128 : i32
      %mul3A_772 = arith.muli %scan3A_753, %mul3A_771 : i32
      %add3A_773 = arith.constant 0 : i32
      %add3A_774 = arith.addi %mul3A_772, %add3A_773 : i32
      %get3A = arith.index_cast %add3A_774 : i32 to index
      %get3A_775 = tpu.vector_load %arg4[%get3A] {strides = array<i32>} : memref<32768xf32, #tpu.memory_space<vmem>>, vector<16xf32>,
      %gt3A_776 = arith.cmpf ogt, %get3A_775, %scan3A_754 : vector<16xf32>
      %select_n3A_777 = arith.select %gt3A_776, %get3A_775, %scan3A_754 : vector<16xi1>, vector<16xf32>
      %select_n3A_778 = arith.select %gt3A_776, %scan3A_770, %scan3A_762 : vector<16xi1>, vector<16xi32>
      %mul3A_779 = arith.constant 128 : i32
      %mul3A_780 = arith.muli %scan3A_753, %mul3A_779 : i32
      %add3A_781 = arith.constant 16 : i32
      %add3A_782 = arith.addi %mul3A_780, %add3A_781 : i32
      %get3A_783 = arith.index_cast %add3A_782 : i32 to index
      %get3A_784 = tpu.vector_load %arg4[%get3A_783] {strides = array<i32>} : memref<32768xf32, #tpu.memory_space<vmem>>, vector<16xf32>,
      %gt3A_785 = arith.cmpf ogt, %get3A_784, %scan3A_755 : vector<16xf32>
      %select_n3A_786 = arith.select %gt3A_785, %get3A_784, %scan3A_755 : vector<16xi1>, vector<16xf32>
      %select_n3A_787 = arith.select %gt3A_785, %scan3A_770, %scan3A_763 : vector<16xi1>, vector<16xi32>
      %mul3A_788 = arith.constant 128 : i32
      %mul3A_789 = arith.muli %scan3A_753, %mul3A_788 : i32
      %add3A_790 = arith.constant 32 : i32
      %add3A_791 = arith.addi %mul3A_789, %add3A_790 : i32
      %get3A_792 = arith.index_cast %add3A_791 : i32 to index
      %get3A_793 = tpu.vector_load %arg4[%get3A_792] {strides = array<i32>} : memref<32768xf32, #tpu.memory_space<vmem>>, vector<16xf32>,
      %gt3A_794 = arith.cmpf ogt, %get3A_793, %scan3A_756 : vector<16xf32>
      %select_n3A_795 = arith.select %gt3A_794, %get3A_793, %scan3A_756 : vector<16xi1>, vector<16xf32>
      %select_n3A_796 = arith.select %gt3A_794, %scan3A_770, %scan3A_764 : vector<16xi1>, vector<16xi32>
      %mul3A_797 = arith.constant 128 : i32
      %mul3A_798 = arith.muli %scan3A_753, %mul3A_797 : i32
      %add3A_799 = arith.constant 48 : i32
      %add3A_800 = arith.addi %mul3A_798, %add3A_799 : i32
      %get3A_801 = arith.index_cast %add3A_800 : i32 to index
      %get3A_802 = tpu.vector_load %arg4[%get3A_801] {strides = array<i32>} : memref<32768xf32, #tpu.memory_space<vmem>>, vector<16xf32>,
      %gt3A_803 = arith.cmpf ogt, %get3A_802, %scan3A_757 : vector<16xf32>
      %select_n3A_804 = arith.select %gt3A_803, %get3A_802, %scan3A_757 : vector<16xi1>, vector<16xf32>
      %select_n3A_805 = arith.select %gt3A_803, %scan3A_770, %scan3A_765 : vector<16xi1>, vector<16xi32>
      %mul3A_806 = arith.constant 128 : i32
      %mul3A_807 = arith.muli %scan3A_753, %mul3A_806 : i32
      %add3A_808 = arith.constant 64 : i32
      %add3A_809 = arith.addi %mul3A_807, %add3A_808 : i32
      %get3A_810 = arith.index_cast %add3A_809 : i32 to index
      %get3A_811 = tpu.vector_load %arg4[%get3A_810] {strides = array<i32>} : memref<32768xf32, #tpu.memory_space<vmem>>, vector<16xf32>,
      %gt3A_812 = arith.cmpf ogt, %get3A_811, %scan3A_758 : vector<16xf32>
      %select_n3A_813 = arith.select %gt3A_812, %get3A_811, %scan3A_758 : vector<16xi1>, vector<16xf32>
      %select_n3A_814 = arith.select %gt3A_812, %scan3A_770, %scan3A_766 : vector<16xi1>, vector<16xi32>
      %mul3A_815 = arith.constant 128 : i32
      %mul3A_816 = arith.muli %scan3A_753, %mul3A_815 : i32
      %add3A_817 = arith.constant 80 : i32
      %add3A_818 = arith.addi %mul3A_816, %add3A_817 : i32
      %get3A_819 = arith.index_cast %add3A_818 : i32 to index
      %get3A_820 = tpu.vector_load %arg4[%get3A_819] {strides = array<i32>} : memref<32768xf32, #tpu.memory_space<vmem>>, vector<16xf32>,
      %gt3A_821 = arith.cmpf ogt, %get3A_820, %scan3A_759 : vector<16xf32>
      %select_n3A_822 = arith.select %gt3A_821, %get3A_820, %scan3A_759 : vector<16xi1>, vector<16xf32>
      %select_n3A_823 = arith.select %gt3A_821, %scan3A_770, %scan3A_767 : vector<16xi1>, vector<16xi32>
      %mul3A_824 = arith.constant 128 : i32
      %mul3A_825 = arith.muli %scan3A_753, %mul3A_824 : i32
      %add3A_826 = arith.constant 96 : i32
      %add3A_827 = arith.addi %mul3A_825, %add3A_826 : i32
      %get3A_828 = arith.index_cast %add3A_827 : i32 to index
      %get3A_829 = tpu.vector_load %arg4[%get3A_828] {strides = array<i32>} : memref<32768xf32, #tpu.memory_space<vmem>>, vector<16xf32>,
      %gt3A_830 = arith.cmpf ogt, %get3A_829, %scan3A_760 : vector<16xf32>
      %select_n3A_831 = arith.select %gt3A_830, %get3A_829, %scan3A_760 : vector<16xi1>, vector<16xf32>
      %select_n3A_832 = arith.select %gt3A_830, %scan3A_770, %scan3A_768 : vector<16xi1>, vector<16xi32>
      %mul3A_833 = arith.constant 128 : i32
      %mul3A_834 = arith.muli %scan3A_753, %mul3A_833 : i32
      %add3A_835 = arith.constant 112 : i32
      %add3A_836 = arith.addi %mul3A_834, %add3A_835 : i32
      %get3A_837 = arith.index_cast %add3A_836 : i32 to index
      %get3A_838 = tpu.vector_load %arg4[%get3A_837] {strides = array<i32>} : memref<32768xf32, #tpu.memory_space<vmem>>, vector<16xf32>,
      %gt3A_839 = arith.cmpf ogt, %get3A_838, %scan3A_761 : vector<16xf32>
      %select_n3A_840 = arith.select %gt3A_839, %get3A_838, %scan3A_761 : vector<16xi1>, vector<16xf32>
      %select_n3A_841 = arith.select %gt3A_839, %scan3A_770, %scan3A_769 : vector<16xi1>, vector<16xi32>
      %add3A_842 = arith.constant 128 : i32
      %add3A_843 = vector.broadcast %add3A_842 : i32 to vector<16xi32>
      %add3A_844 = arith.addi %scan3A_770, %add3A_843 : vector<16xi32>
      scf.yield %select_n3A_777, %select_n3A_786, %select_n3A_795, %select_n3A_804, %select_n3A_813, %select_n3A_822, %select_n3A_831, %select_n3A_840, %select_n3A_778, %select_n3A_787, %select_n3A_796, %select_n3A_805, %select_n3A_814, %select_n3A_823, %select_n3A_832, %select_n3A_841, %add3A_844 : vector<16xf32>, vector<16xf32>, vector<16xf32>, vector<16xf32>, vector<16xf32>, vector<16xf32>, vector<16xf32>, vector<16xf32>, vector<16xi32>, vector<16xi32>, vector<16xi32>, vector<16xi32>, vector<16xi32>, vector<16xi32>, vector<16xi32>, vector<16xi32>, vector<16xi32>
    }
    %scan3A_380 = arith.constant 256 : i32
    %add3A_381 = arith.constant 0 : i32
    %add3A_382 = vector.broadcast %add3A_381 : i32 to vector<16xi32>
    %add3A_383 = arith.addi %scan3A_379#8, %add3A_382 : vector<16xi32>
    %add3A_384 = arith.addi %add3A_383, %iota3A : vector<16xi32>
    %add3A_385 = arith.constant 16 : i32
    %add3A_386 = vector.broadcast %add3A_385 : i32 to vector<16xi32>
    %add3A_387 = arith.addi %scan3A_379#9, %add3A_386 : vector<16xi32>
    %add3A_388 = arith.addi %add3A_387, %iota3A : vector<16xi32>
    %add3A_389 = arith.constant 32 : i32
    %add3A_390 = vector.broadcast %add3A_389 : i32 to vector<16xi32>
    %add3A_391 = arith.addi %scan3A_379#10, %add3A_390 : vector<16xi32>
    %add3A_392 = arith.addi %add3A_391, %iota3A : vector<16xi32>
    %add3A_393 = arith.constant 48 : i32
    %add3A_394 = vector.broadcast %add3A_393 : i32 to vector<16xi32>
    %add3A_395 = arith.addi %scan3A_379#11, %add3A_394 : vector<16xi32>
    %add3A_396 = arith.addi %add3A_395, %iota3A : vector<16xi32>
    %add3A_397 = arith.constant 64 : i32
    %add3A_398 = vector.broadcast %add3A_397 : i32 to vector<16xi32>
    %add3A_399 = arith.addi %scan3A_379#12, %add3A_398 : vector<16xi32>
    %add3A_400 = arith.addi %add3A_399, %iota3A : vector<16xi32>
    %add3A_401 = arith.constant 80 : i32
    %add3A_402 = vector.broadcast %add3A_401 : i32 to vector<16xi32>
    %add3A_403 = arith.addi %scan3A_379#13, %add3A_402 : vector<16xi32>
    %add3A_404 = arith.addi %add3A_403, %iota3A : vector<16xi32>
    %add3A_405 = arith.constant 96 : i32
    %add3A_406 = vector.broadcast %add3A_405 : i32 to vector<16xi32>
    %add3A_407 = arith.addi %scan3A_379#14, %add3A_406 : vector<16xi32>
    %add3A_408 = arith.addi %add3A_407, %iota3A : vector<16xi32>
    %add3A_409 = arith.constant 112 : i32
    %add3A_410 = vector.broadcast %add3A_409 : i32 to vector<16xi32>
    %add3A_411 = arith.addi %scan3A_379#15, %add3A_410 : vector<16xi32>
    %add3A_412 = arith.addi %add3A_411, %iota3A : vector<16xi32>
    %gt3A_413 = arith.cmpf ogt, %scan3A_379#4, %scan3A_379#0 : vector<16xf32>
    %eq3A_414 = arith.cmpf oeq, %scan3A_379#4, %scan3A_379#0 : vector<16xf32>
    %lt3A_415 = arith.cmpi slt, %add3A_400, %add3A_384 : vector<16xi32>
    %and3A_416 = arith.andi %eq3A_414, %lt3A_415 : vector<16xi1>
    %or3A_417 = arith.ori %gt3A_413, %and3A_416 : vector<16xi1>
    %select_n3A_418 = arith.select %or3A_417, %scan3A_379#4, %scan3A_379#0 : vector<16xi1>, vector<16xf32>
    %select_n3A_419 = arith.select %or3A_417, %add3A_400, %add3A_384 : vector<16xi1>, vector<16xi32>
    %gt3A_420 = arith.cmpf ogt, %scan3A_379#5, %scan3A_379#1 : vector<16xf32>
    %eq3A_421 = arith.cmpf oeq, %scan3A_379#5, %scan3A_379#1 : vector<16xf32>
    %lt3A_422 = arith.cmpi slt, %add3A_404, %add3A_388 : vector<16xi32>
    %and3A_423 = arith.andi %eq3A_421, %lt3A_422 : vector<16xi1>
    %or3A_424 = arith.ori %gt3A_420, %and3A_423 : vector<16xi1>
    %select_n3A_425 = arith.select %or3A_424, %scan3A_379#5, %scan3A_379#1 : vector<16xi1>, vector<16xf32>
    %select_n3A_426 = arith.select %or3A_424, %add3A_404, %add3A_388 : vector<16xi1>, vector<16xi32>
    %gt3A_427 = arith.cmpf ogt, %scan3A_379#6, %scan3A_379#2 : vector<16xf32>
    %eq3A_428 = arith.cmpf oeq, %scan3A_379#6, %scan3A_379#2 : vector<16xf32>
    %lt3A_429 = arith.cmpi slt, %add3A_408, %add3A_392 : vector<16xi32>
    %and3A_430 = arith.andi %eq3A_428, %lt3A_429 : vector<16xi1>
    %or3A_431 = arith.ori %gt3A_427, %and3A_430 : vector<16xi1>
    %select_n3A_432 = arith.select %or3A_431, %scan3A_379#6, %scan3A_379#2 : vector<16xi1>, vector<16xf32>
    %select_n3A_433 = arith.select %or3A_431, %add3A_408, %add3A_392 : vector<16xi1>, vector<16xi32>
    %gt3A_434 = arith.cmpf ogt, %scan3A_379#7, %scan3A_379#3 : vector<16xf32>
    %eq3A_435 = arith.cmpf oeq, %scan3A_379#7, %scan3A_379#3 : vector<16xf32>
    %lt3A_436 = arith.cmpi slt, %add3A_412, %add3A_396 : vector<16xi32>
    %and3A_437 = arith.andi %eq3A_435, %lt3A_436 : vector<16xi1>
    %or3A_438 = arith.ori %gt3A_434, %and3A_437 : vector<16xi1>
    %select_n3A_439 = arith.select %or3A_438, %scan3A_379#7, %scan3A_379#3 : vector<16xi1>, vector<16xf32>
    %select_n3A_440 = arith.select %or3A_438, %add3A_412, %add3A_396 : vector<16xi1>, vector<16xi32>
    %gt3A_441 = arith.cmpf ogt, %select_n3A_432, %select_n3A_418 : vector<16xf32>
    %eq3A_442 = arith.cmpf oeq, %select_n3A_432, %select_n3A_418 : vector<16xf32>
    %lt3A_443 = arith.cmpi slt, %select_n3A_433, %select_n3A_419 : vector<16xi32>
    %and3A_444 = arith.andi %eq3A_442, %lt3A_443 : vector<16xi1>
    %or3A_445 = arith.ori %gt3A_441, %and3A_444 : vector<16xi1>
    %select_n3A_446 = arith.select %or3A_445, %select_n3A_432, %select_n3A_418 : vector<16xi1>, vector<16xf32>
    %select_n3A_447 = arith.select %or3A_445, %select_n3A_433, %select_n3A_419 : vector<16xi1>, vector<16xi32>
    %gt3A_448 = arith.cmpf ogt, %select_n3A_439, %select_n3A_425 : vector<16xf32>
    %eq3A_449 = arith.cmpf oeq, %select_n3A_439, %select_n3A_425 : vector<16xf32>
    %lt3A_450 = arith.cmpi slt, %select_n3A_440, %select_n3A_426 : vector<16xi32>
    %and3A_451 = arith.andi %eq3A_449, %lt3A_450 : vector<16xi1>
    %or3A_452 = arith.ori %gt3A_448, %and3A_451 : vector<16xi1>
    %select_n3A_453 = arith.select %or3A_452, %select_n3A_439, %select_n3A_425 : vector<16xi1>, vector<16xf32>
    %select_n3A_454 = arith.select %or3A_452, %select_n3A_440, %select_n3A_426 : vector<16xi1>, vector<16xi32>
    %gt3A_455 = arith.cmpf ogt, %select_n3A_453, %select_n3A_446 : vector<16xf32>
    %eq3A_456 = arith.cmpf oeq, %select_n3A_453, %select_n3A_446 : vector<16xf32>
    %lt3A_457 = arith.cmpi slt, %select_n3A_454, %select_n3A_447 : vector<16xi32>
    %and3A_458 = arith.andi %eq3A_456, %lt3A_457 : vector<16xi1>
    %or3A_459 = arith.ori %gt3A_455, %and3A_458 : vector<16xi1>
    %select_n3A_460 = arith.select %or3A_459, %select_n3A_453, %select_n3A_446 : vector<16xi1>, vector<16xf32>
    %select_n3A_461 = arith.select %or3A_459, %select_n3A_454, %select_n3A_447 : vector<16xi1>, vector<16xi32>
    %reduce_max3A_462 = arith.constant true
    %reduce_max3A_463 = vector.broadcast %reduce_max3A_462 : i1 to vector<16xi1>
    %reduce_max3A_464 = tpu.scan <max>, %select_n3A_460 masked %reduce_max3A_463 : vector<16xf32>, vector<16xi1> -> vector<16xf32>
    %reduce_max3A_465 = vector.extract %reduce_max3A_464[15] : f32 from vector<16xf32>
    %eq3A_466 = vector.broadcast %reduce_max3A_465 : f32 to vector<16xf32>
    %eq3A_467 = arith.cmpf oeq, %select_n3A_460, %eq3A_466 : vector<16xf32>
    %jit3A_468 = arith.constant 32768 : i32
    %broadcast_in_dim3A_469 = vector.broadcast %jit3A_468 : i32 to vector<16xi32>
    %select_n3A_470 = arith.select %eq3A_467, %select_n3A_461, %broadcast_in_dim3A_469 : vector<16xi1>, vector<16xi32>
    %reduce_min3A_471 = arith.constant true
    %reduce_min3A_472 = vector.broadcast %reduce_min3A_471 : i1 to vector<16xi1>
    %reduce_min3A_473 = arith.constant -2147483648 : i32
    %reduce_min3A_474 = vector.broadcast %reduce_min3A_473 : i32 to vector<16xi32>
    %reduce_min3A_475 = arith.xori %select_n3A_470, %reduce_min3A_474 : vector<16xi32>
    %reduce_min3A_476 = tpu.scan <min>, %reduce_min3A_475 masked %reduce_min3A_472 : vector<16xi32>, vector<16xi1> -> vector<16xi32>
    %reduce_min3A_477 = arith.xori %reduce_min3A_476, %reduce_min3A_474 : vector<16xi32>
    %reduce_min3A_478 = vector.extract %reduce_min3A_477[15] : i32 from vector<16xi32>
    %jit3A_479 = arith.constant 16 : i32
    %div3A_480 = arith.divsi %reduce_min3A_478, %jit3A_479 : i32
    %sign3A_481 = arith.constant 0 : i32
    %sign3A_482 = arith.cmpi sgt, %reduce_min3A_478, %sign3A_481 : i32
    %sign3A_483 = arith.extui %sign3A_482 : i1 to i32
    %sign3A_484 = arith.constant 0 : i32
    %sign3A_485 = arith.cmpi slt, %reduce_min3A_478, %sign3A_484 : i32
    %sign3A_486 = arith.extui %sign3A_485 : i1 to i32
    %sign3A_487 = arith.subi %sign3A_483, %sign3A_486 : i32
    %sign3A_488 = arith.constant 0 : i32
    %sign3A_489 = arith.cmpi sgt, %jit3A_479, %sign3A_488 : i32
    %sign3A_490 = arith.extui %sign3A_489 : i1 to i32
    %sign3A_491 = arith.constant 0 : i32
    %sign3A_492 = arith.cmpi slt, %jit3A_479, %sign3A_491 : i32
    %sign3A_493 = arith.extui %sign3A_492 : i1 to i32
    %sign3A_494 = arith.subi %sign3A_490, %sign3A_493 : i32
    %ne3A_495 = arith.cmpi ne, %sign3A_487, %sign3A_494 : i32
    %rem3A_496 = arith.remsi %reduce_min3A_478, %jit3A_479 : i32
    %ne3A_497 = arith.constant 0 : i32
    %ne3A_498 = arith.cmpi ne, %rem3A_496, %ne3A_497 : i32
    %and3A_499 = arith.andi %ne3A_495, %ne3A_498 : i1
    %sub3A_500 = arith.constant 1 : i32
    %sub3A_501 = arith.subi %div3A_480, %sub3A_500 : i32
    %select_n3A_502 = arith.select %and3A_499, %sub3A_501, %div3A_480 : i32
    %mul3A_503 = arith.constant 16 : i32
    %mul3A_504 = arith.muli %select_n3A_502, %mul3A_503 : i32
    %multiple_of3A_505 = tpu.assume_multiple %mul3A_504, 16 : i32
    %broadcast_in_dim3A_506 = arith.constant 32 : i32
    %broadcast_in_dim3A_507 = vector.broadcast %broadcast_in_dim3A_506 : i32 to vector<16xi32>
    %sub3A_508 = arith.subi %reduce_min3A_478, %multiple_of3A_505 : i32
    %add3A_509 = vector.broadcast %sub3A_508 : i32 to vector<16xi32>
    %add3A_510 = arith.addi %broadcast_in_dim3A_507, %add3A_509 : vector<16xi32>
    tpu.vector_store_idx %arg7[%add3A_510], %broadcast_in_dim3A_3 masked %eq3A_5 : memref<64xf32, #tpu.memory_space<vmem>>[vector<16xi32>], vector<16xf32>, vector<16xi1>
    %dma_wait3A_511 = arith.constant 0 : i32
    %dma_wait3A_512 = tpu.memref_slice %arg2[%add3A_364, %dma_wait3A_511] : memref<128x32768xf32, #tpu.memory_space<hbm>> -> memref<1x32768xf32, #tpu.memory_space<hbm>>
    %dma_wait3A_513 = tpu.memref_squeeze %dma_wait3A_512 : memref<1x32768xf32, #tpu.memory_space<hbm>> -> memref<32768xf32, #tpu.memory_space<hbm>>
    %dma_wait3A_514 = arith.constant 0 : i32
    %dma_wait3A_515 = tpu.memref_slice %arg2[%add3A_364, %dma_wait3A_514] : memref<128x32768xf32, #tpu.memory_space<hbm>> -> memref<1x32768xf32, #tpu.memory_space<hbm>>
    %dma_wait3A_516 = tpu.memref_squeeze %dma_wait3A_515 : memref<1x32768xf32, #tpu.memory_space<hbm>> -> memref<32768xf32, #tpu.memory_space<hbm>>
    tpu.wait_dma2 semaphore(%arg8 : memref<!tpu.dma_semaphore, #tpu.memory_space<semaphore_mem>>) src(%dma_wait3A_516 : memref<32768xf32, #tpu.memory_space<hbm>>) dst(%arg5 : memref<32768xf32, #tpu.memory_space<vmem>>)
    %broadcast_in_dim3A_517 = arith.constant 0xFF800000 : f32
    %broadcast_in_dim3A_518 = vector.broadcast %broadcast_in_dim3A_517 : f32 to vector<16xf32>
    %broadcast_in_dim3A_519 = arith.constant 0 : i32
    %broadcast_in_dim3A_520 = vector.broadcast %broadcast_in_dim3A_519 : i32 to vector<16xi32>
    %scan3A_521 = arith.constant 0 : i32
    %scan3A_522 = arith.constant 256 : i32
    %scan3A_523 = arith.addi %scan3A_521, %scan3A_522 : i32
    %scan3A_524 = arith.constant 1 : i32
    %scan3A_525:17 = scf.for %scan3A_753 = %scan3A_521 to %scan3A_523 step %scan3A_524 iter_args(%scan3A_754 = %broadcast_in_dim3A_518, %scan3A_755 = %broadcast_in_dim3A_518, %scan3A_756 = %broadcast_in_dim3A_518, %scan3A_757 = %broadcast_in_dim3A_518, %scan3A_758 = %broadcast_in_dim3A_518, %scan3A_759 = %broadcast_in_dim3A_518, %scan3A_760 = %broadcast_in_dim3A_518, %scan3A_761 = %broadcast_in_dim3A_518, %scan3A_762 = %broadcast_in_dim3A_520, %scan3A_763 = %broadcast_in_dim3A_520, %scan3A_764 = %broadcast_in_dim3A_520, %scan3A_765 = %broadcast_in_dim3A_520, %scan3A_766 = %broadcast_in_dim3A_520, %scan3A_767 = %broadcast_in_dim3A_520, %scan3A_768 = %broadcast_in_dim3A_520, %scan3A_769 = %broadcast_in_dim3A_520, %scan3A_770 = %broadcast_in_dim3A_520) -> (vector<16xf32>, vector<16xf32>, vector<16xf32>, vector<16xf32>, vector<16xf32>, vector<16xf32>, vector<16xf32>, vector<16xf32>, vector<16xi32>, vector<16xi32>, vector<16xi32>, vector<16xi32>, vector<16xi32>, vector<16xi32>, vector<16xi32>, vector<16xi32>, vector<16xi32>)  : i32 {
      %mul3A_771 = arith.constant 128 : i32
      %mul3A_772 = arith.muli %scan3A_753, %mul3A_771 : i32
      %add3A_773 = arith.constant 0 : i32
      %add3A_774 = arith.addi %mul3A_772, %add3A_773 : i32
      %get3A = arith.index_cast %add3A_774 : i32 to index
      %get3A_775 = tpu.vector_load %arg5[%get3A] {strides = array<i32>} : memref<32768xf32, #tpu.memory_space<vmem>>, vector<16xf32>,
      %gt3A_776 = arith.cmpf ogt, %get3A_775, %scan3A_754 : vector<16xf32>
      %select_n3A_777 = arith.select %gt3A_776, %get3A_775, %scan3A_754 : vector<16xi1>, vector<16xf32>
      %select_n3A_778 = arith.select %gt3A_776, %scan3A_770, %scan3A_762 : vector<16xi1>, vector<16xi32>
      %mul3A_779 = arith.constant 128 : i32
      %mul3A_780 = arith.muli %scan3A_753, %mul3A_779 : i32
      %add3A_781 = arith.constant 16 : i32
      %add3A_782 = arith.addi %mul3A_780, %add3A_781 : i32
      %get3A_783 = arith.index_cast %add3A_782 : i32 to index
      %get3A_784 = tpu.vector_load %arg5[%get3A_783] {strides = array<i32>} : memref<32768xf32, #tpu.memory_space<vmem>>, vector<16xf32>,
      %gt3A_785 = arith.cmpf ogt, %get3A_784, %scan3A_755 : vector<16xf32>
      %select_n3A_786 = arith.select %gt3A_785, %get3A_784, %scan3A_755 : vector<16xi1>, vector<16xf32>
      %select_n3A_787 = arith.select %gt3A_785, %scan3A_770, %scan3A_763 : vector<16xi1>, vector<16xi32>
      %mul3A_788 = arith.constant 128 : i32
      %mul3A_789 = arith.muli %scan3A_753, %mul3A_788 : i32
      %add3A_790 = arith.constant 32 : i32
      %add3A_791 = arith.addi %mul3A_789, %add3A_790 : i32
      %get3A_792 = arith.index_cast %add3A_791 : i32 to index
      %get3A_793 = tpu.vector_load %arg5[%get3A_792] {strides = array<i32>} : memref<32768xf32, #tpu.memory_space<vmem>>, vector<16xf32>,
      %gt3A_794 = arith.cmpf ogt, %get3A_793, %scan3A_756 : vector<16xf32>
      %select_n3A_795 = arith.select %gt3A_794, %get3A_793, %scan3A_756 : vector<16xi1>, vector<16xf32>
      %select_n3A_796 = arith.select %gt3A_794, %scan3A_770, %scan3A_764 : vector<16xi1>, vector<16xi32>
      %mul3A_797 = arith.constant 128 : i32
      %mul3A_798 = arith.muli %scan3A_753, %mul3A_797 : i32
      %add3A_799 = arith.constant 48 : i32
      %add3A_800 = arith.addi %mul3A_798, %add3A_799 : i32
      %get3A_801 = arith.index_cast %add3A_800 : i32 to index
      %get3A_802 = tpu.vector_load %arg5[%get3A_801] {strides = array<i32>} : memref<32768xf32, #tpu.memory_space<vmem>>, vector<16xf32>,
      %gt3A_803 = arith.cmpf ogt, %get3A_802, %scan3A_757 : vector<16xf32>
      %select_n3A_804 = arith.select %gt3A_803, %get3A_802, %scan3A_757 : vector<16xi1>, vector<16xf32>
      %select_n3A_805 = arith.select %gt3A_803, %scan3A_770, %scan3A_765 : vector<16xi1>, vector<16xi32>
      %mul3A_806 = arith.constant 128 : i32
      %mul3A_807 = arith.muli %scan3A_753, %mul3A_806 : i32
      %add3A_808 = arith.constant 64 : i32
      %add3A_809 = arith.addi %mul3A_807, %add3A_808 : i32
      %get3A_810 = arith.index_cast %add3A_809 : i32 to index
      %get3A_811 = tpu.vector_load %arg5[%get3A_810] {strides = array<i32>} : memref<32768xf32, #tpu.memory_space<vmem>>, vector<16xf32>,
      %gt3A_812 = arith.cmpf ogt, %get3A_811, %scan3A_758 : vector<16xf32>
      %select_n3A_813 = arith.select %gt3A_812, %get3A_811, %scan3A_758 : vector<16xi1>, vector<16xf32>
      %select_n3A_814 = arith.select %gt3A_812, %scan3A_770, %scan3A_766 : vector<16xi1>, vector<16xi32>
      %mul3A_815 = arith.constant 128 : i32
      %mul3A_816 = arith.muli %scan3A_753, %mul3A_815 : i32
      %add3A_817 = arith.constant 80 : i32
      %add3A_818 = arith.addi %mul3A_816, %add3A_817 : i32
      %get3A_819 = arith.index_cast %add3A_818 : i32 to index
      %get3A_820 = tpu.vector_load %arg5[%get3A_819] {strides = array<i32>} : memref<32768xf32, #tpu.memory_space<vmem>>, vector<16xf32>,
      %gt3A_821 = arith.cmpf ogt, %get3A_820, %scan3A_759 : vector<16xf32>
      %select_n3A_822 = arith.select %gt3A_821, %get3A_820, %scan3A_759 : vector<16xi1>, vector<16xf32>
      %select_n3A_823 = arith.select %gt3A_821, %scan3A_770, %scan3A_767 : vector<16xi1>, vector<16xi32>
      %mul3A_824 = arith.constant 128 : i32
      %mul3A_825 = arith.muli %scan3A_753, %mul3A_824 : i32
      %add3A_826 = arith.constant 96 : i32
      %add3A_827 = arith.addi %mul3A_825, %add3A_826 : i32
      %get3A_828 = arith.index_cast %add3A_827 : i32 to index
      %get3A_829 = tpu.vector_load %arg5[%get3A_828] {strides = array<i32>} : memref<32768xf32, #tpu.memory_space<vmem>>, vector<16xf32>,
      %gt3A_830 = arith.cmpf ogt, %get3A_829, %scan3A_760 : vector<16xf32>
      %select_n3A_831 = arith.select %gt3A_830, %get3A_829, %scan3A_760 : vector<16xi1>, vector<16xf32>
      %select_n3A_832 = arith.select %gt3A_830, %scan3A_770, %scan3A_768 : vector<16xi1>, vector<16xi32>
      %mul3A_833 = arith.constant 128 : i32
      %mul3A_834 = arith.muli %scan3A_753, %mul3A_833 : i32
      %add3A_835 = arith.constant 112 : i32
      %add3A_836 = arith.addi %mul3A_834, %add3A_835 : i32
      %get3A_837 = arith.index_cast %add3A_836 : i32 to index
      %get3A_838 = tpu.vector_load %arg5[%get3A_837] {strides = array<i32>} : memref<32768xf32, #tpu.memory_space<vmem>>, vector<16xf32>,
      %gt3A_839 = arith.cmpf ogt, %get3A_838, %scan3A_761 : vector<16xf32>
      %select_n3A_840 = arith.select %gt3A_839, %get3A_838, %scan3A_761 : vector<16xi1>, vector<16xf32>
      %select_n3A_841 = arith.select %gt3A_839, %scan3A_770, %scan3A_769 : vector<16xi1>, vector<16xi32>
      %add3A_842 = arith.constant 128 : i32
      %add3A_843 = vector.broadcast %add3A_842 : i32 to vector<16xi32>
      %add3A_844 = arith.addi %scan3A_770, %add3A_843 : vector<16xi32>
      scf.yield %select_n3A_777, %select_n3A_786, %select_n3A_795, %select_n3A_804, %select_n3A_813, %select_n3A_822, %select_n3A_831, %select_n3A_840, %select_n3A_778, %select_n3A_787, %select_n3A_796, %select_n3A_805, %select_n3A_814, %select_n3A_823, %select_n3A_832, %select_n3A_841, %add3A_844 : vector<16xf32>, vector<16xf32>, vector<16xf32>, vector<16xf32>, vector<16xf32>, vector<16xf32>, vector<16xf32>, vector<16xf32>, vector<16xi32>, vector<16xi32>, vector<16xi32>, vector<16xi32>, vector<16xi32>, vector<16xi32>, vector<16xi32>, vector<16xi32>, vector<16xi32>
    }
    %scan3A_526 = arith.constant 256 : i32
    %add3A_527 = arith.constant 0 : i32
    %add3A_528 = vector.broadcast %add3A_527 : i32 to vector<16xi32>
    %add3A_529 = arith.addi %scan3A_525#8, %add3A_528 : vector<16xi32>
    %add3A_530 = arith.addi %add3A_529, %iota3A : vector<16xi32>
    %add3A_531 = arith.constant 16 : i32
    %add3A_532 = vector.broadcast %add3A_531 : i32 to vector<16xi32>
    %add3A_533 = arith.addi %scan3A_525#9, %add3A_532 : vector<16xi32>
    %add3A_534 = arith.addi %add3A_533, %iota3A : vector<16xi32>
    %add3A_535 = arith.constant 32 : i32
    %add3A_536 = vector.broadcast %add3A_535 : i32 to vector<16xi32>
    %add3A_537 = arith.addi %scan3A_525#10, %add3A_536 : vector<16xi32>
    %add3A_538 = arith.addi %add3A_537, %iota3A : vector<16xi32>
    %add3A_539 = arith.constant 48 : i32
    %add3A_540 = vector.broadcast %add3A_539 : i32 to vector<16xi32>
    %add3A_541 = arith.addi %scan3A_525#11, %add3A_540 : vector<16xi32>
    %add3A_542 = arith.addi %add3A_541, %iota3A : vector<16xi32>
    %add3A_543 = arith.constant 64 : i32
    %add3A_544 = vector.broadcast %add3A_543 : i32 to vector<16xi32>
    %add3A_545 = arith.addi %scan3A_525#12, %add3A_544 : vector<16xi32>
    %add3A_546 = arith.addi %add3A_545, %iota3A : vector<16xi32>
    %add3A_547 = arith.constant 80 : i32
    %add3A_548 = vector.broadcast %add3A_547 : i32 to vector<16xi32>
    %add3A_549 = arith.addi %scan3A_525#13, %add3A_548 : vector<16xi32>
    %add3A_550 = arith.addi %add3A_549, %iota3A : vector<16xi32>
    %add3A_551 = arith.constant 96 : i32
    %add3A_552 = vector.broadcast %add3A_551 : i32 to vector<16xi32>
    %add3A_553 = arith.addi %scan3A_525#14, %add3A_552 : vector<16xi32>
    %add3A_554 = arith.addi %add3A_553, %iota3A : vector<16xi32>
    %add3A_555 = arith.constant 112 : i32
    %add3A_556 = vector.broadcast %add3A_555 : i32 to vector<16xi32>
    %add3A_557 = arith.addi %scan3A_525#15, %add3A_556 : vector<16xi32>
    %add3A_558 = arith.addi %add3A_557, %iota3A : vector<16xi32>
    %gt3A_559 = arith.cmpf ogt, %scan3A_525#4, %scan3A_525#0 : vector<16xf32>
    %eq3A_560 = arith.cmpf oeq, %scan3A_525#4, %scan3A_525#0 : vector<16xf32>
    %lt3A_561 = arith.cmpi slt, %add3A_546, %add3A_530 : vector<16xi32>
    %and3A_562 = arith.andi %eq3A_560, %lt3A_561 : vector<16xi1>
    %or3A_563 = arith.ori %gt3A_559, %and3A_562 : vector<16xi1>
    %select_n3A_564 = arith.select %or3A_563, %scan3A_525#4, %scan3A_525#0 : vector<16xi1>, vector<16xf32>
    %select_n3A_565 = arith.select %or3A_563, %add3A_546, %add3A_530 : vector<16xi1>, vector<16xi32>
    %gt3A_566 = arith.cmpf ogt, %scan3A_525#5, %scan3A_525#1 : vector<16xf32>
    %eq3A_567 = arith.cmpf oeq, %scan3A_525#5, %scan3A_525#1 : vector<16xf32>
    %lt3A_568 = arith.cmpi slt, %add3A_550, %add3A_534 : vector<16xi32>
    %and3A_569 = arith.andi %eq3A_567, %lt3A_568 : vector<16xi1>
    %or3A_570 = arith.ori %gt3A_566, %and3A_569 : vector<16xi1>
    %select_n3A_571 = arith.select %or3A_570, %scan3A_525#5, %scan3A_525#1 : vector<16xi1>, vector<16xf32>
    %select_n3A_572 = arith.select %or3A_570, %add3A_550, %add3A_534 : vector<16xi1>, vector<16xi32>
    %gt3A_573 = arith.cmpf ogt, %scan3A_525#6, %scan3A_525#2 : vector<16xf32>
    %eq3A_574 = arith.cmpf oeq, %scan3A_525#6, %scan3A_525#2 : vector<16xf32>
    %lt3A_575 = arith.cmpi slt, %add3A_554, %add3A_538 : vector<16xi32>
    %and3A_576 = arith.andi %eq3A_574, %lt3A_575 : vector<16xi1>
    %or3A_577 = arith.ori %gt3A_573, %and3A_576 : vector<16xi1>
    %select_n3A_578 = arith.select %or3A_577, %scan3A_525#6, %scan3A_525#2 : vector<16xi1>, vector<16xf32>
    %select_n3A_579 = arith.select %or3A_577, %add3A_554, %add3A_538 : vector<16xi1>, vector<16xi32>
    %gt3A_580 = arith.cmpf ogt, %scan3A_525#7, %scan3A_525#3 : vector<16xf32>
    %eq3A_581 = arith.cmpf oeq, %scan3A_525#7, %scan3A_525#3 : vector<16xf32>
    %lt3A_582 = arith.cmpi slt, %add3A_558, %add3A_542 : vector<16xi32>
    %and3A_583 = arith.andi %eq3A_581, %lt3A_582 : vector<16xi1>
    %or3A_584 = arith.ori %gt3A_580, %and3A_583 : vector<16xi1>
    %select_n3A_585 = arith.select %or3A_584, %scan3A_525#7, %scan3A_525#3 : vector<16xi1>, vector<16xf32>
    %select_n3A_586 = arith.select %or3A_584, %add3A_558, %add3A_542 : vector<16xi1>, vector<16xi32>
    %gt3A_587 = arith.cmpf ogt, %select_n3A_578, %select_n3A_564 : vector<16xf32>
    %eq3A_588 = arith.cmpf oeq, %select_n3A_578, %select_n3A_564 : vector<16xf32>
    %lt3A_589 = arith.cmpi slt, %select_n3A_579, %select_n3A_565 : vector<16xi32>
    %and3A_590 = arith.andi %eq3A_588, %lt3A_589 : vector<16xi1>
    %or3A_591 = arith.ori %gt3A_587, %and3A_590 : vector<16xi1>
    %select_n3A_592 = arith.select %or3A_591, %select_n3A_578, %select_n3A_564 : vector<16xi1>, vector<16xf32>
    %select_n3A_593 = arith.select %or3A_591, %select_n3A_579, %select_n3A_565 : vector<16xi1>, vector<16xi32>
    %gt3A_594 = arith.cmpf ogt, %select_n3A_585, %select_n3A_571 : vector<16xf32>
    %eq3A_595 = arith.cmpf oeq, %select_n3A_585, %select_n3A_571 : vector<16xf32>
    %lt3A_596 = arith.cmpi slt, %select_n3A_586, %select_n3A_572 : vector<16xi32>
    %and3A_597 = arith.andi %eq3A_595, %lt3A_596 : vector<16xi1>
    %or3A_598 = arith.ori %gt3A_594, %and3A_597 : vector<16xi1>
    %select_n3A_599 = arith.select %or3A_598, %select_n3A_585, %select_n3A_571 : vector<16xi1>, vector<16xf32>
    %select_n3A_600 = arith.select %or3A_598, %select_n3A_586, %select_n3A_572 : vector<16xi1>, vector<16xi32>
    %gt3A_601 = arith.cmpf ogt, %select_n3A_599, %select_n3A_592 : vector<16xf32>
    %eq3A_602 = arith.cmpf oeq, %select_n3A_599, %select_n3A_592 : vector<16xf32>
    %lt3A_603 = arith.cmpi slt, %select_n3A_600, %select_n3A_593 : vector<16xi32>
    %and3A_604 = arith.andi %eq3A_602, %lt3A_603 : vector<16xi1>
    %or3A_605 = arith.ori %gt3A_601, %and3A_604 : vector<16xi1>
    %select_n3A_606 = arith.select %or3A_605, %select_n3A_599, %select_n3A_592 : vector<16xi1>, vector<16xf32>
    %select_n3A_607 = arith.select %or3A_605, %select_n3A_600, %select_n3A_593 : vector<16xi1>, vector<16xi32>
    %reduce_max3A_608 = arith.constant true
    %reduce_max3A_609 = vector.broadcast %reduce_max3A_608 : i1 to vector<16xi1>
    %reduce_max3A_610 = tpu.scan <max>, %select_n3A_606 masked %reduce_max3A_609 : vector<16xf32>, vector<16xi1> -> vector<16xf32>
    %reduce_max3A_611 = vector.extract %reduce_max3A_610[15] : f32 from vector<16xf32>
    %eq3A_612 = vector.broadcast %reduce_max3A_611 : f32 to vector<16xf32>
    %eq3A_613 = arith.cmpf oeq, %select_n3A_606, %eq3A_612 : vector<16xf32>
    %jit3A_614 = arith.constant 32768 : i32
    %broadcast_in_dim3A_615 = vector.broadcast %jit3A_614 : i32 to vector<16xi32>
    %select_n3A_616 = arith.select %eq3A_613, %select_n3A_607, %broadcast_in_dim3A_615 : vector<16xi1>, vector<16xi32>
    %reduce_min3A_617 = arith.constant true
    %reduce_min3A_618 = vector.broadcast %reduce_min3A_617 : i1 to vector<16xi1>
    %reduce_min3A_619 = arith.constant -2147483648 : i32
    %reduce_min3A_620 = vector.broadcast %reduce_min3A_619 : i32 to vector<16xi32>
    %reduce_min3A_621 = arith.xori %select_n3A_616, %reduce_min3A_620 : vector<16xi32>
    %reduce_min3A_622 = tpu.scan <min>, %reduce_min3A_621 masked %reduce_min3A_618 : vector<16xi32>, vector<16xi1> -> vector<16xi32>
    %reduce_min3A_623 = arith.xori %reduce_min3A_622, %reduce_min3A_620 : vector<16xi32>
    %reduce_min3A_624 = vector.extract %reduce_min3A_623[15] : i32 from vector<16xi32>
    %jit3A_625 = arith.constant 16 : i32
    %div3A_626 = arith.divsi %reduce_min3A_624, %jit3A_625 : i32
    %sign3A_627 = arith.constant 0 : i32
    %sign3A_628 = arith.cmpi sgt, %reduce_min3A_624, %sign3A_627 : i32
    %sign3A_629 = arith.extui %sign3A_628 : i1 to i32
    %sign3A_630 = arith.constant 0 : i32
    %sign3A_631 = arith.cmpi slt, %reduce_min3A_624, %sign3A_630 : i32
    %sign3A_632 = arith.extui %sign3A_631 : i1 to i32
    %sign3A_633 = arith.subi %sign3A_629, %sign3A_632 : i32
    %sign3A_634 = arith.constant 0 : i32
    %sign3A_635 = arith.cmpi sgt, %jit3A_625, %sign3A_634 : i32
    %sign3A_636 = arith.extui %sign3A_635 : i1 to i32
    %sign3A_637 = arith.constant 0 : i32
    %sign3A_638 = arith.cmpi slt, %jit3A_625, %sign3A_637 : i32
    %sign3A_639 = arith.extui %sign3A_638 : i1 to i32
    %sign3A_640 = arith.subi %sign3A_636, %sign3A_639 : i32
    %ne3A_641 = arith.cmpi ne, %sign3A_633, %sign3A_640 : i32
    %rem3A_642 = arith.remsi %reduce_min3A_624, %jit3A_625 : i32
    %ne3A_643 = arith.constant 0 : i32
    %ne3A_644 = arith.cmpi ne, %rem3A_642, %ne3A_643 : i32
    %and3A_645 = arith.andi %ne3A_641, %ne3A_644 : i1
    %sub3A_646 = arith.constant 1 : i32
    %sub3A_647 = arith.subi %div3A_626, %sub3A_646 : i32
    %select_n3A_648 = arith.select %and3A_645, %sub3A_647, %div3A_626 : i32
    %mul3A_649 = arith.constant 16 : i32
    %mul3A_650 = arith.muli %select_n3A_648, %mul3A_649 : i32
    %multiple_of3A_651 = tpu.assume_multiple %mul3A_650, 16 : i32
    %broadcast_in_dim3A_652 = arith.constant 48 : i32
    %broadcast_in_dim3A_653 = vector.broadcast %broadcast_in_dim3A_652 : i32 to vector<16xi32>
    %sub3A_654 = arith.subi %reduce_min3A_624, %multiple_of3A_651 : i32
    %add3A_655 = vector.broadcast %sub3A_654 : i32 to vector<16xi32>
    %add3A_656 = arith.addi %broadcast_in_dim3A_653, %add3A_655 : vector<16xi32>
    tpu.vector_store_idx %arg7[%add3A_656], %broadcast_in_dim3A_3 masked %eq3A_5 : memref<64xf32, #tpu.memory_space<vmem>>[vector<16xi32>], vector<16xf32>, vector<16xi1>
    %dma_wait3A_657 = arith.constant 0 : i32
    %dma_wait3A_658 = tpu.memref_slice %arg3[%add3A_27, %dma_wait3A_657] : memref<128x32768xf32, #tpu.memory_space<hbm>> -> memref<1x32768xf32, #tpu.memory_space<hbm>>
    %dma_wait3A_659 = tpu.memref_squeeze %dma_wait3A_658 : memref<1x32768xf32, #tpu.memory_space<hbm>> -> memref<32768xf32, #tpu.memory_space<hbm>>
    %dma_wait3A_660 = arith.constant 0 : i32
    %dma_wait3A_661 = tpu.memref_slice %arg3[%add3A_27, %dma_wait3A_660] : memref<128x32768xf32, #tpu.memory_space<hbm>> -> memref<1x32768xf32, #tpu.memory_space<hbm>>
    %dma_wait3A_662 = tpu.memref_squeeze %dma_wait3A_661 : memref<1x32768xf32, #tpu.memory_space<hbm>> -> memref<32768xf32, #tpu.memory_space<hbm>>
    tpu.wait_dma2 semaphore(%arg9 : memref<!tpu.dma_semaphore, #tpu.memory_space<semaphore_mem>>) src(%arg6 : memref<32768xf32, #tpu.memory_space<vmem>>) dst(%dma_wait3A_662 : memref<32768xf32, #tpu.memory_space<hbm>>)
    %dma_wait3A_663 = arith.constant 0 : i32
    %dma_wait3A_664 = tpu.memref_slice %arg3[%add3A_35, %dma_wait3A_663] : memref<128x32768xf32, #tpu.memory_space<hbm>> -> memref<1x32768xf32, #tpu.memory_space<hbm>>
    %dma_wait3A_665 = tpu.memref_squeeze %dma_wait3A_664 : memref<1x32768xf32, #tpu.memory_space<hbm>> -> memref<32768xf32, #tpu.memory_space<hbm>>
    %dma_wait3A_666 = arith.constant 0 : i32
    %dma_wait3A_667 = tpu.memref_slice %arg3[%add3A_35, %dma_wait3A_666] : memref<128x32768xf32, #tpu.memory_space<hbm>> -> memref<1x32768xf32, #tpu.memory_space<hbm>>
    %dma_wait3A_668 = tpu.memref_squeeze %dma_wait3A_667 : memref<1x32768xf32, #tpu.memory_space<hbm>> -> memref<32768xf32, #tpu.memory_space<hbm>>
    tpu.wait_dma2 semaphore(%arg9 : memref<!tpu.dma_semaphore, #tpu.memory_space<semaphore_mem>>) src(%arg6 : memref<32768xf32, #tpu.memory_space<vmem>>) dst(%dma_wait3A_668 : memref<32768xf32, #tpu.memory_space<hbm>>)
    %dma_wait3A_669 = arith.constant 0 : i32
    %dma_wait3A_670 = tpu.memref_slice %arg3[%add3A_43, %dma_wait3A_669] : memref<128x32768xf32, #tpu.memory_space<hbm>> -> memref<1x32768xf32, #tpu.memory_space<hbm>>
    %dma_wait3A_671 = tpu.memref_squeeze %dma_wait3A_670 : memref<1x32768xf32, #tpu.memory_space<hbm>> -> memref<32768xf32, #tpu.memory_space<hbm>>
    %dma_wait3A_672 = arith.constant 0 : i32
    %dma_wait3A_673 = tpu.memref_slice %arg3[%add3A_43, %dma_wait3A_672] : memref<128x32768xf32, #tpu.memory_space<hbm>> -> memref<1x32768xf32, #tpu.memory_space<hbm>>
    %dma_wait3A_674 = tpu.memref_squeeze %dma_wait3A_673 : memref<1x32768xf32, #tpu.memory_space<hbm>> -> memref<32768xf32, #tpu.memory_space<hbm>>
    tpu.wait_dma2 semaphore(%arg9 : memref<!tpu.dma_semaphore, #tpu.memory_space<semaphore_mem>>) src(%arg6 : memref<32768xf32, #tpu.memory_space<vmem>>) dst(%dma_wait3A_674 : memref<32768xf32, #tpu.memory_space<hbm>>)
    %dma_wait3A_675 = arith.constant 0 : i32
    %dma_wait3A_676 = tpu.memref_slice %arg3[%add3A_51, %dma_wait3A_675] : memref<128x32768xf32, #tpu.memory_space<hbm>> -> memref<1x32768xf32, #tpu.memory_space<hbm>>
    %dma_wait3A_677 = tpu.memref_squeeze %dma_wait3A_676 : memref<1x32768xf32, #tpu.memory_space<hbm>> -> memref<32768xf32, #tpu.memory_space<hbm>>
    %dma_wait3A_678 = arith.constant 0 : i32
    %dma_wait3A_679 = tpu.memref_slice %arg3[%add3A_51, %dma_wait3A_678] : memref<128x32768xf32, #tpu.memory_space<hbm>> -> memref<1x32768xf32, #tpu.memory_space<hbm>>
    %dma_wait3A_680 = tpu.memref_squeeze %dma_wait3A_679 : memref<1x32768xf32, #tpu.memory_space<hbm>> -> memref<32768xf32, #tpu.memory_space<hbm>>
    tpu.wait_dma2 semaphore(%arg9 : memref<!tpu.dma_semaphore, #tpu.memory_space<semaphore_mem>>) src(%arg6 : memref<32768xf32, #tpu.memory_space<vmem>>) dst(%dma_wait3A_680 : memref<32768xf32, #tpu.memory_space<hbm>>)
    %add3A_681 = arith.constant 0 : i32
    %add3A_682 = arith.addi %mul3A_7, %add3A_681 : i32
    %dma_start3A_683 = arith.constant 0 : i32
    %dma_start3A_684 = tpu.memref_slice %arg7[%dma_start3A_683] : memref<64xf32, #tpu.memory_space<vmem>> -> memref<16xf32, #tpu.memory_space<vmem>>
    %dma_start3A_685 = tpu.memref_slice %arg3[%add3A_682, %multiple_of3A] : memref<128x32768xf32, #tpu.memory_space<hbm>> -> memref<1x16xf32, #tpu.memory_space<hbm>>
    %dma_start3A_686 = tpu.memref_squeeze %dma_start3A_685 : memref<1x16xf32, #tpu.memory_space<hbm>> -> memref<16xf32, #tpu.memory_space<hbm>>
    %dma_start3A_687 = tpu.memref_slice %arg3[%add3A_682, %multiple_of3A] : memref<128x32768xf32, #tpu.memory_space<hbm>> -> memref<1x16xf32, #tpu.memory_space<hbm>>
    %dma_start3A_688 = tpu.memref_squeeze %dma_start3A_687 : memref<1x16xf32, #tpu.memory_space<hbm>> -> memref<16xf32, #tpu.memory_space<hbm>>
    %dma_start3A_689 = arith.constant 0 : i32
    %dma_start3A_690 = tpu.memref_slice %arg7[%dma_start3A_689] : memref<64xf32, #tpu.memory_space<vmem>> -> memref<16xf32, #tpu.memory_space<vmem>>
    tpu.enqueue_dma source(%dma_start3A_690 : memref<16xf32, #tpu.memory_space<vmem>>) target(%dma_start3A_688 : memref<16xf32, #tpu.memory_space<hbm>>) target_semaphore(%arg10 : memref<!tpu.dma_semaphore, #tpu.memory_space<semaphore_mem>>)
    %add3A_691 = arith.constant 1 : i32
    %add3A_692 = arith.addi %mul3A_7, %add3A_691 : i32
    %dma_start3A_693 = arith.constant 16 : i32
    %dma_start3A_694 = tpu.memref_slice %arg7[%dma_start3A_693] : memref<64xf32, #tpu.memory_space<vmem>> -> memref<16xf32, #tpu.memory_space<vmem>>
    %dma_start3A_695 = tpu.memref_slice %arg3[%add3A_692, %multiple_of3A_349] : memref<128x32768xf32, #tpu.memory_space<hbm>> -> memref<1x16xf32, #tpu.memory_space<hbm>>
    %dma_start3A_696 = tpu.memref_squeeze %dma_start3A_695 : memref<1x16xf32, #tpu.memory_space<hbm>> -> memref<16xf32, #tpu.memory_space<hbm>>
    %dma_start3A_697 = tpu.memref_slice %arg3[%add3A_692, %multiple_of3A_349] : memref<128x32768xf32, #tpu.memory_space<hbm>> -> memref<1x16xf32, #tpu.memory_space<hbm>>
    %dma_start3A_698 = tpu.memref_squeeze %dma_start3A_697 : memref<1x16xf32, #tpu.memory_space<hbm>> -> memref<16xf32, #tpu.memory_space<hbm>>
    %dma_start3A_699 = arith.constant 16 : i32
    %dma_start3A_700 = tpu.memref_slice %arg7[%dma_start3A_699] : memref<64xf32, #tpu.memory_space<vmem>> -> memref<16xf32, #tpu.memory_space<vmem>>
    tpu.enqueue_dma source(%dma_start3A_700 : memref<16xf32, #tpu.memory_space<vmem>>) target(%dma_start3A_698 : memref<16xf32, #tpu.memory_space<hbm>>) target_semaphore(%arg10 : memref<!tpu.dma_semaphore, #tpu.memory_space<semaphore_mem>>)
    %add3A_701 = arith.constant 2 : i32
    %add3A_702 = arith.addi %mul3A_7, %add3A_701 : i32
    %dma_start3A_703 = arith.constant 32 : i32
    %dma_start3A_704 = tpu.memref_slice %arg7[%dma_start3A_703] : memref<64xf32, #tpu.memory_space<vmem>> -> memref<16xf32, #tpu.memory_space<vmem>>
    %dma_start3A_705 = tpu.memref_slice %arg3[%add3A_702, %multiple_of3A_505] : memref<128x32768xf32, #tpu.memory_space<hbm>> -> memref<1x16xf32, #tpu.memory_space<hbm>>
    %dma_start3A_706 = tpu.memref_squeeze %dma_start3A_705 : memref<1x16xf32, #tpu.memory_space<hbm>> -> memref<16xf32, #tpu.memory_space<hbm>>
    %dma_start3A_707 = tpu.memref_slice %arg3[%add3A_702, %multiple_of3A_505] : memref<128x32768xf32, #tpu.memory_space<hbm>> -> memref<1x16xf32, #tpu.memory_space<hbm>>
    %dma_start3A_708 = tpu.memref_squeeze %dma_start3A_707 : memref<1x16xf32, #tpu.memory_space<hbm>> -> memref<16xf32, #tpu.memory_space<hbm>>
    %dma_start3A_709 = arith.constant 32 : i32
    %dma_start3A_710 = tpu.memref_slice %arg7[%dma_start3A_709] : memref<64xf32, #tpu.memory_space<vmem>> -> memref<16xf32, #tpu.memory_space<vmem>>
    tpu.enqueue_dma source(%dma_start3A_710 : memref<16xf32, #tpu.memory_space<vmem>>) target(%dma_start3A_708 : memref<16xf32, #tpu.memory_space<hbm>>) target_semaphore(%arg10 : memref<!tpu.dma_semaphore, #tpu.memory_space<semaphore_mem>>)
    %add3A_711 = arith.constant 3 : i32
    %add3A_712 = arith.addi %mul3A_7, %add3A_711 : i32
    %dma_start3A_713 = arith.constant 48 : i32
    %dma_start3A_714 = tpu.memref_slice %arg7[%dma_start3A_713] : memref<64xf32, #tpu.memory_space<vmem>> -> memref<16xf32, #tpu.memory_space<vmem>>
    %dma_start3A_715 = tpu.memref_slice %arg3[%add3A_712, %multiple_of3A_651] : memref<128x32768xf32, #tpu.memory_space<hbm>> -> memref<1x16xf32, #tpu.memory_space<hbm>>
    %dma_start3A_716 = tpu.memref_squeeze %dma_start3A_715 : memref<1x16xf32, #tpu.memory_space<hbm>> -> memref<16xf32, #tpu.memory_space<hbm>>
    %dma_start3A_717 = tpu.memref_slice %arg3[%add3A_712, %multiple_of3A_651] : memref<128x32768xf32, #tpu.memory_space<hbm>> -> memref<1x16xf32, #tpu.memory_space<hbm>>
    %dma_start3A_718 = tpu.memref_squeeze %dma_start3A_717 : memref<1x16xf32, #tpu.memory_space<hbm>> -> memref<16xf32, #tpu.memory_space<hbm>>
    %dma_start3A_719 = arith.constant 48 : i32
    %dma_start3A_720 = tpu.memref_slice %arg7[%dma_start3A_719] : memref<64xf32, #tpu.memory_space<vmem>> -> memref<16xf32, #tpu.memory_space<vmem>>
    tpu.enqueue_dma source(%dma_start3A_720 : memref<16xf32, #tpu.memory_space<vmem>>) target(%dma_start3A_718 : memref<16xf32, #tpu.memory_space<hbm>>) target_semaphore(%arg10 : memref<!tpu.dma_semaphore, #tpu.memory_space<semaphore_mem>>)
    %dma_wait3A_721 = arith.constant 0 : i32
    %dma_wait3A_722 = tpu.memref_slice %arg7[%dma_wait3A_721] : memref<64xf32, #tpu.memory_space<vmem>> -> memref<16xf32, #tpu.memory_space<vmem>>
    %dma_wait3A_723 = tpu.memref_slice %arg3[%add3A_682, %multiple_of3A] : memref<128x32768xf32, #tpu.memory_space<hbm>> -> memref<1x16xf32, #tpu.memory_space<hbm>>
    %dma_wait3A_724 = tpu.memref_squeeze %dma_wait3A_723 : memref<1x16xf32, #tpu.memory_space<hbm>> -> memref<16xf32, #tpu.memory_space<hbm>>
    %dma_wait3A_725 = tpu.memref_slice %arg3[%add3A_682, %multiple_of3A] : memref<128x32768xf32, #tpu.memory_space<hbm>> -> memref<1x16xf32, #tpu.memory_space<hbm>>
    %dma_wait3A_726 = tpu.memref_squeeze %dma_wait3A_725 : memref<1x16xf32, #tpu.memory_space<hbm>> -> memref<16xf32, #tpu.memory_space<hbm>>
    %dma_wait3A_727 = arith.constant 0 : i32
    %dma_wait3A_728 = tpu.memref_slice %arg7[%dma_wait3A_727] : memref<64xf32, #tpu.memory_space<vmem>> -> memref<16xf32, #tpu.memory_space<vmem>>
    tpu.wait_dma2 semaphore(%arg10 : memref<!tpu.dma_semaphore, #tpu.memory_space<semaphore_mem>>) src(%dma_wait3A_728 : memref<16xf32, #tpu.memory_space<vmem>>) dst(%dma_wait3A_726 : memref<16xf32, #tpu.memory_space<hbm>>)
    %dma_wait3A_729 = arith.constant 16 : i32
    %dma_wait3A_730 = tpu.memref_slice %arg7[%dma_wait3A_729] : memref<64xf32, #tpu.memory_space<vmem>> -> memref<16xf32, #tpu.memory_space<vmem>>
    %dma_wait3A_731 = tpu.memref_slice %arg3[%add3A_692, %multiple_of3A_349] : memref<128x32768xf32, #tpu.memory_space<hbm>> -> memref<1x16xf32, #tpu.memory_space<hbm>>
    %dma_wait3A_732 = tpu.memref_squeeze %dma_wait3A_731 : memref<1x16xf32, #tpu.memory_space<hbm>> -> memref<16xf32, #tpu.memory_space<hbm>>
    %dma_wait3A_733 = tpu.memref_slice %arg3[%add3A_692, %multiple_of3A_349] : memref<128x32768xf32, #tpu.memory_space<hbm>> -> memref<1x16xf32, #tpu.memory_space<hbm>>
    %dma_wait3A_734 = tpu.memref_squeeze %dma_wait3A_733 : memref<1x16xf32, #tpu.memory_space<hbm>> -> memref<16xf32, #tpu.memory_space<hbm>>
    %dma_wait3A_735 = arith.constant 16 : i32
    %dma_wait3A_736 = tpu.memref_slice %arg7[%dma_wait3A_735] : memref<64xf32, #tpu.memory_space<vmem>> -> memref<16xf32, #tpu.memory_space<vmem>>
    tpu.wait_dma2 semaphore(%arg10 : memref<!tpu.dma_semaphore, #tpu.memory_space<semaphore_mem>>) src(%dma_wait3A_736 : memref<16xf32, #tpu.memory_space<vmem>>) dst(%dma_wait3A_734 : memref<16xf32, #tpu.memory_space<hbm>>)
    %dma_wait3A_737 = arith.constant 32 : i32
    %dma_wait3A_738 = tpu.memref_slice %arg7[%dma_wait3A_737] : memref<64xf32, #tpu.memory_space<vmem>> -> memref<16xf32, #tpu.memory_space<vmem>>
    %dma_wait3A_739 = tpu.memref_slice %arg3[%add3A_702, %multiple_of3A_505] : memref<128x32768xf32, #tpu.memory_space<hbm>> -> memref<1x16xf32, #tpu.memory_space<hbm>>
    %dma_wait3A_740 = tpu.memref_squeeze %dma_wait3A_739 : memref<1x16xf32, #tpu.memory_space<hbm>> -> memref<16xf32, #tpu.memory_space<hbm>>
    %dma_wait3A_741 = tpu.memref_slice %arg3[%add3A_702, %multiple_of3A_505] : memref<128x32768xf32, #tpu.memory_space<hbm>> -> memref<1x16xf32, #tpu.memory_space<hbm>>
    %dma_wait3A_742 = tpu.memref_squeeze %dma_wait3A_741 : memref<1x16xf32, #tpu.memory_space<hbm>> -> memref<16xf32, #tpu.memory_space<hbm>>
    %dma_wait3A_743 = arith.constant 32 : i32
    %dma_wait3A_744 = tpu.memref_slice %arg7[%dma_wait3A_743] : memref<64xf32, #tpu.memory_space<vmem>> -> memref<16xf32, #tpu.memory_space<vmem>>
    tpu.wait_dma2 semaphore(%arg10 : memref<!tpu.dma_semaphore, #tpu.memory_space<semaphore_mem>>) src(%dma_wait3A_744 : memref<16xf32, #tpu.memory_space<vmem>>) dst(%dma_wait3A_742 : memref<16xf32, #tpu.memory_space<hbm>>)
    %dma_wait3A_745 = arith.constant 48 : i32
    %dma_wait3A_746 = tpu.memref_slice %arg7[%dma_wait3A_745] : memref<64xf32, #tpu.memory_space<vmem>> -> memref<16xf32, #tpu.memory_space<vmem>>
    %dma_wait3A_747 = tpu.memref_slice %arg3[%add3A_712, %multiple_of3A_651] : memref<128x32768xf32, #tpu.memory_space<hbm>> -> memref<1x16xf32, #tpu.memory_space<hbm>>
    %dma_wait3A_748 = tpu.memref_squeeze %dma_wait3A_747 : memref<1x16xf32, #tpu.memory_space<hbm>> -> memref<16xf32, #tpu.memory_space<hbm>>
    %dma_wait3A_749 = tpu.memref_slice %arg3[%add3A_712, %multiple_of3A_651] : memref<128x32768xf32, #tpu.memory_space<hbm>> -> memref<1x16xf32, #tpu.memory_space<hbm>>
    %dma_wait3A_750 = tpu.memref_squeeze %dma_wait3A_749 : memref<1x16xf32, #tpu.memory_space<hbm>> -> memref<16xf32, #tpu.memory_space<hbm>>
    %dma_wait3A_751 = arith.constant 48 : i32
    %dma_wait3A_752 = tpu.memref_slice %arg7[%dma_wait3A_751] : memref<64xf32, #tpu.memory_space<vmem>> -> memref<16xf32, #tpu.memory_space<vmem>>
    tpu.wait_dma2 semaphore(%arg10 : memref<!tpu.dma_semaphore, #tpu.memory_space<semaphore_mem>>) src(%dma_wait3A_752 : memref<16xf32, #tpu.memory_space<vmem>>) dst(%dma_wait3A_750 : memref<16xf32, #tpu.memory_space<hbm>>)
    return
  }
}

</mosaic_0001>

<sc_bundles>
// kernel: kernel.3.cloned.1.call-start
scs
__scs_entry_jumppad:
0x0: {  	(pc) =	sbr.rel $0x88, $3  }
0x1: {  	(tag) =	ssettag $0x0;
	lr =	simm.s32 $0x1  }
0x2: {  	[smem:$0x3FA0] =	sst lr;
	_ =	strace $0xD0000000  }
0x3: {  	_ = 	snop  }
0x4: {  	_ = 	snop  }
0x5: {  	_ = 	snop  }
0x6: {  	_ = 	snop  }
0x7: {  	_ = 	snop  }
__scs_overlays_trampoline_lowered:
0x8: {  	[smem:$0x3FAF] =	sst s0  }
0x9: {  	[smem:$0x3FB0] =	sst s1  }
0xa: {  	[smem:$0x3FB1] =	sst s2  }
0xb: {  	[smem:$0x3FB2] =	sst s3  }
0xc: {  	[smem:$0x3FB3] =	sst s4  }
0xd: {  	[smem:$0x3FB4] =	sst s5  }
0xe: {  	[smem:$0x3FB5] =	sst s6  }
0xf: {  	[smem:$0x3FB6] =	sst s7  }
0x10: {  	[smem:$0x3FB7] =	sst s8  }
0x11: {  	[smem:$0x3FB8] =	sst s9;
	s0 =	simm.s32 @!p0 $0x0  }
0x12: {  	s1 =	sld [smem:$0x3F9E];
	s0 =	simm.s32 @p0 $0x1  }
0x13: {  	[smem:$0x3FB9] =	sst s0;
	s0 =	simm.s32 @!p1 $0x0  }
0x14: {  	s2 =	sld [smem:$0x3F9D];
	s0 =	simm.s32 @p1 $0x1  }
0x15: {  	[smem:$0x3FBA] =	sst s0;
	s0 =	simm.s32 @!p2 $0x0  }
0x16: {  	s3 =	sld [smem:$0x3FDB];
	s0 =	simm.s32 @p2 $0x1  }
0x17: {  	s4 =	simm.s32 $0x1BF5;
	[smem:$0x3FBC] =	sst s0  }
0x18: {  	s0 =	sld [smem:$0x3F9F];
	_ =	swait.ge [sflag:s4], $0x0  }
0x19: {  	s7 =	sld [smem:$0x3FA0]  }
0x1a: {  	s8 =	sadd.s32 $0xFFFFE003, lr  }
0x1b: {  	s9 =	sadd.s32 $0xFFFFFEF7, lr;
	s5 =	simm.s32 $0xFFFFFFFF;
	p2 =	slt.u32 s8, $0xFFFFF086  }
0x1c: {  	p1 =	slt.u32 s9, $0xF7A;
	s5 =	simm.s32 @!p2 $0x0  }
0x1d: {  	s5 =	simm.s32 @p1 $0x1;
	p0 =	seq.s32 s7, s2  }
0x1e: {  	s7 =	smul.u32 @!p0 $0xF7A, s2;
	p2 =	seq.s32 @!p0 s5, $0x0  }
0x1f: {  	s9 =	smul.u32 $0xF7A, s1;
	s8 =	simm.s32 @!p0 $0x1BF5;
	p2 =	por !p2, p0  }
0x20: {  	[sflag:s8] =	ssyncset.s32 @!p0 $0xFFFFF086;
	s6 =	sadd.s32 @!p0 s3, s7;
	s7 =	simm.s32 @!p0 $0x108  }
0x21: {  	s3 =	sadd.s32 s3, s9;
	s6 =	sadd.s32 @!p0 $0x88, s6;
	s7 =	simm.s32 @p2 $0x1082  }
0x22: {  	[simem:s7], [sflag:s8] =	dma.local @!p0 [hbm:s6], $0xF7A  }
0x23: {  	s9 =	sor.u32 $0xD0000000, s2;
	s6 =	simm.s32 $0x108;
	_ =	swait.ge @!p0 [sflag:s8], $0x0  }
0x24: {  	s3 =	sadd.s32 $0x88, s3;
	s6 =	simm.s32 @!p1 $0x1082;
	[sflag:s4] =	ssyncset.s32 $0xFFFFF086  }
0x25: {  	[simem:s6], [sflag:s4] =	dma.local [hbm:s3], $0xF7A  }
0x26: {  	[smem:$0x3FA0] =	sst s1;
	(tag) =	ssettag s2;
	_ =	strace s9  }
0x27: {  	s1 =	sld [smem:$0x3FB0]  }
0x28: {  	s2 =	sld [smem:$0x3FB1]  }
0x29: {  	s4 =	sld [smem:$0x3FB3]  }
0x2a: {  	p0 =	seq.s32 s5, $0x0;
	s5 =	sld [smem:$0x3FB4]  }
0x2b: {  	s6 =	sld [smem:$0x3FB5]  }
0x2c: {  	s7 =	sld [smem:$0x3FB6]  }
0x2d: {  	s3 =	simm.s32 $0x108;
	s8 =	sld [smem:$0x3FB7]  }
0x2e: {  	s3 =	simm.s32 @!p0 $0x1082;
	s9 =	sld [smem:$0x3FB8]  }
0x2f: {  	lr =	sadd.s32 s0, s3;
	s0 =	sld [smem:$0x3FAF]  }
0x30: {  	s3 =	sld [smem:$0x3FB2]  }
0x31: {  	[smem:$0x3FBB] =	sst s10  }
0x32: {  	s10 =	sld [smem:$0x3FB9];
	_ =	sdelay $0x3  }
0x33: {  	p0 =	seq.s32 s10, $0x1;
	s10 =	sld [smem:$0x3FBB];
	_ =	sdelay $0x3  }
0x34: {  	[smem:$0x3FBB] =	sst s10  }
0x35: {  	s10 =	sld [smem:$0x3FBA];
	_ =	sdelay $0x3  }
0x36: {  	p1 =	seq.s32 s10, $0x1;
	s10 =	sld [smem:$0x3FBB];
	_ =	sdelay $0x3  }
0x37: {  	[smem:$0x3FBB] =	sst s10  }
0x38: {  	s10 =	sld [smem:$0x3FBC]  }
0x39: {  	_ = 	snop;
	(pc) =	sbr.ind lr, $3  }
0x3a: {  	_ = 	snop  }
0x3b: {  	_ = 	snop  }
0x3c: {  	p2 =	seq.s32 s10, $0x1;
	s10 =	sld [smem:$0x3FBB]  }
0x3d: {  	_ =	shalt  }
0x3e: {  	_ =	shalt  }
0x3f: {  	_ =	shalt  }
0x40: {  	_ =	shalt  }
0x41: {  	_ =	shalt  }
0x42: {  	_ =	shalt  }
0x43: {  	_ =	shalt  }
0x44: {  	_ =	shalt  }
0x45: {  	_ =	shalt  }
0x46: {  	_ =	shalt  }
0x47: {  	_ =	shalt  }
0x48: {  	_ =	shalt  }
0x49: {  	_ =	shalt  }
0x4a: {  	_ =	shalt  }
0x4b: {  	_ =	shalt  }
0x4c: {  	_ =	shalt  }
0x4d: {  	_ =	shalt  }
0x4e: {  	_ =	shalt  }
0x4f: {  	_ =	shalt  }
0x50: {  	_ =	shalt  }
0x51: {  	_ =	shalt  }
0x52: {  	_ =	shalt  }
0x53: {  	_ =	shalt  }
0x54: {  	_ =	shalt  }
0x55: {  	_ =	shalt  }
0x56: {  	_ =	shalt  }
0x57: {  	_ =	shalt  }
0x58: {  	_ =	shalt  }
0x59: {  	_ =	shalt  }
0x5a: {  	_ =	shalt  }
0x5b: {  	_ =	shalt  }
0x5c: {  	_ =	shalt  }
0x5d: {  	_ =	shalt  }
0x5e: {  	_ =	shalt  }
0x5f: {  	_ =	shalt  }
0x60: {  	_ =	shalt  }
0x61: {  	_ =	shalt  }
0x62: {  	_ =	shalt  }
0x63: {  	_ =	shalt  }
0x64: {  	_ =	shalt  }
0x65: {  	_ =	shalt  }
0x66: {  	_ =	shalt  }
0x67: {  	_ =	shalt  }
0x68: {  	_ =	shalt  }
0x69: {  	_ =	shalt  }
0x6a: {  	_ =	shalt  }
0x6b: {  	_ =	shalt  }
0x6c: {  	_ =	shalt  }
0x6d: {  	_ =	shalt  }
0x6e: {  	_ =	shalt  }
0x6f: {  	_ =	shalt  }
0x70: {  	_ =	shalt  }
0x71: {  	_ =	shalt  }
0x72: {  	_ =	shalt  }
0x73: {  	_ =	shalt  }
0x74: {  	_ =	shalt  }
0x75: {  	_ =	shalt  }
0x76: {  	_ =	shalt  }
0x77: {  	_ =	shalt  }
0x78: {  	_ =	shalt  }
0x79: {  	_ =	shalt  }
0x7a: {  	_ =	shalt  }
0x7b: {  	_ =	shalt  }
0x7c: {  	_ =	shalt  }
0x7d: {  	_ =	shalt  }
0x7e: {  	_ =	shalt  }
0x7f: {  	_ =	shalt  }
0x80: {  	_ =	shalt  }
0x81: {  	_ =	shalt  }
0x82: {  	_ =	shalt  }
0x83: {  	_ =	shalt  }
0x84: {  	_ =	shalt  }
0x85: {  	_ =	shalt  }
0x86: {  	_ =	shalt  }
0x87: {  	_ =	shalt  }
.Lfunc_end0:
.L_simem_size_0:
called_computation_lowered:
.L_overlay_start_0:
0x88: {  	s2 =	sld [smem:$0x3FD9]  }
0x89: {  	s3 =	sld [smem:$0x3FFE];
	_ =	sdelay $0x1  }
0x8a: {  	s1 =	srdreg.scid  }
0x8b: {  	s0 =	sand.u32 $0x1, s1  }
0x8c: {  	s18 =	sshll.u32 s0, $0xA;
	s2 =	sadd.s32 s3, s2  }
0x8d: {  	s2 =	sadd.s32 s2, s18  }
0x8e: {  	[smem:$0x3FC7] =	sst s2  }
0x8f: {  	_ = 	snop  }
0x90: {  	s2 =	sld [smem:$0x3FC9]  }
0x91: {  	s19 =	sld [smem:$0x3FD0];
	(tm) =	ssettm $0x1  }
0x92: {  	s4 =	sld [smem:$0x3FFB];
	_ =	sdelay $0x3  }
0x93: {  	_ =	strace s4  }
0x94: {  	s4 =	sld [smem:$0x3FFC];
	_ =	sdelay $0x3  }
0x95: {  	_ =	strace s4  }
0x96: {  	s4 =	sld [smem:$0x3FFD];
	_ =	sdelay $0x3  }
0x97: {  	_ =	strace s4  }
0x98: {  	_ =	strace $0x8FFFFFFF  }
0x99: {  	s20 =	sld [smem:$0x3FDB];
	_ =	sdelay $0x1  }
0x9a: {  	s5 =	simm.s32 $_scs_section_size  }
0x9b: {  	s6 =	simm.s32 $_size__tile_overlayer_lowered;
	s7 =	simm.s32 $_tile_overlayer_lowered  }
0x9c: {  	s23 =	simm.s32 $0x1BFF;
	s22 =	sshll.u32 s7, $0x1;
	s4 =	sadd.s32 s5, s20  }
0x9d: {  	s8 =	simm.s32 $0x0;
	s21 =	sshll.u32 s6, $0x1;
	s6 =	sadd.s32 s22, s4  }
0x9e: {  	[timem:s8], [sflag:s23] =	dma.local [hbm:s6], s21  }
0x9f: {  	_ =	swait.ge [sflag:s23], s21  }
0xa0: {  	s5 =	ssub.s32 $0x0, s21;
	[sflag:s23] =	ssyncset.done $0x0  }
0xa1: {  	[sflag:s23] =	ssyncadd.s32 s5;
	_ =	sdelay $0x1  }
0xa2: {  	s24 =	simm.s32 $0x1B8B  }
0xa3: {  	_ =	swait.ge [sflag:s24], $0x1  }
0xa4: {  	[sflag:s24] =	ssyncset.done $0x0  }
0xa5: {  	s25 =	simm.s32 $0x1B8E;
	[sflag:s24] =	ssyncadd.s32 $0xFFFFFFFF  }
0xa6: {  	s26 =	simm.s32 $execute0_lowered;
	[smem:$0x3FD2] =	sst s25  }
0xa7: {  	s5 =	sshll.u32 s26, $0x1;
	_ =	strace $0x80000046;
	[dreg:$0x1] =	wrdreg $0xFFFFFFFF  }
0xa8: {  	s28 =	simm.s32 $_size_execute0_lowered;
	s4 =	sadd.s32 s4, s5;
	[dreg:$0x0] =	wrdreg $0x0  }
0xa9: {  	s5 =	sshll.u32 s28, $0x1;
	[dreg:$0x2] =	wrdreg s4  }
0xaa: {  	[dreg:$0x3] =	wrdreg s5  }
0xab: {  	[dreg:$0x4] =	wrdreg $0xC0  }
0xac: {  	_ =	task [dreg:s8], $0x5FFFF  }
0xad: {  	[dreg:$0x1] =	wrdreg $0xFFFFFFFF  }
0xae: {  	[dreg:$0x0] =	wrdreg $0x60  }
0xaf: {  	[dreg:$0x2] =	wrdreg s2  }
0xb0: {  	[dreg:$0x3] =	wrdreg s19  }
0xb1: {  	[dreg:$0x4] =	wrdreg $0x9  }
0xb2: {  	_ =	task.clear_ibuf [dreg:s8], $0x5FFFF;
	_ =	strace $0x90000046  }
0xb3: {  	s29 =	simm.s32 $0x9;
	_ =	strace $0x80000048  }
0xb4: {  	_ =	swait.ge [sflag:s29], $0x1  }
0xb5: {  	[sflag:s29] =	ssyncadd.s32 $0xFFFFFFFF  }
0xb6: {  	_ =	strace $0x90000048  }
0xb7: {  	_ =	sfence  }
0xb8: {  	s30 =	sld [smem:$0x0];
	_ =	sdelay $0x2  }
0xb9: {  	s31 =	sshll.u32 s1, $0xD;
	s1 =	sshrl.u32 s1, $0x2  }
0xba: {  	s3 =	sand.u32 $0x4000, s31;
	s1 =	sadd.s32 s1, s30  }
0xbb: {  	s0 =	sor.u32 s3, s0;
	s1 =	sshll.u32 s1, $0x11  }
0xbc: {  	s0 =	sor.u32 s1, s0  }
0xbd: {  	s0 =	sadd.s32 $0x8F2B, s0  }
0xbe: {  	[sflag:s0] =	ssyncadd.remote.s32 $0x1  }
0xbf: {  	_ =	sfence.sel $0xFFFF  }
0xc0: {  	[dreg:$0x0] =	wrdreg $0xFFFFFFFF;
	(pc) =	sbr.abs _section_cstart, $3  }
0xc1: {  	[dreg:$0x1] =	wrdreg $0xFFFFFFFF  }
0xc2: {  	_ =	task.clear_ibuf [dreg:s8], $0x2FFFF;
	_ =	strace $0x9FFFFFFF  }
0xc3: {  	(tm) =	ssettm $0x7FFFFFFF  }
tec
execute0_lowered:
.L_overlay_start_1:
0x0: {  	(tag) =	ssettag $0x1  }
0x1: {  	s0 =	rddreg [dreg:$0x0]  }
0x2: {  	s2 =	rddreg [dreg:$0x1]  }
0x3: {  	s1 =	srdreg.scid;
	s3 =	simm.s32 $0x0;
	s4 =	stileid.u32  }
0x4: {  	s18 =	simm.s32 $0x80;
	s19 =	simm.s32 $0x400;
	s20 =	simm.s32 $0x10000  }
0x5: {  	s21 =	simm.s32 $0x1;
	s22 =	simm.s32 $0x8000;
	s23 =	simm.s32 $0x18000  }
0x6: {  	s24 =	simm.s32 $0x2;
	s29 =	simm.s32 $0x3;
	s30 =	simm.s32 $0x0  }
0x7: {  	s1 =	sand.u32 $0x1, s1;
	s4 =	sshll.u32 s4, $0x12;
	[smem:$0x7FF] =	sst s3  }
0x8: {  	s6 =	ssub.s32 $0x2, s1;
	s5 =	sshll.u32 s1, $0x9;
	_ =	strace $0x80000047  }
0x9: {  	s25 =	sshrl.u32 s6, $0x1;
	s7 =	sor.u32 s5, s4;
	s8 =	sor.u32 $0x80, s5  }
0xa: {  	s9 =	sor.u32 $0x100, s5;
	s10 =	sor.u32 $0x180, s5;
	s1 =	ssub.s32 s6, s25  }
0xb: {  	s26 =	sshrl.u32 s7, $0x3;
	s28 =	sor.u32 s4, s8;
	s31 =	sor.u32 s4, s9  }
0xc: {  	s12 =	sor.u32 s4, s10;
	s7 =	sadd.s32 s0, s26;
	s6 =	sadd.s32 s2, s26  }
0xd: {  	v0 =	vlaneseq.u32;
	s16 =	sshrl.u32 s12, $0x3;
	s17 =	smax.u32 s1, $0x1;
	[dreg:$0x3] =	wrdreg s7  }
0xe: {  	v1 =	vimm.f32 $0.0e+00;
	v9 =	vimm.f32 $1.000000000e+00;
	v2 =	vor.u32 $0x10, v0;
	[dreg:$0x4] =	wrdreg s6;
	s6 =	sshrl.u32 s28, $0x3;
	s7 =	sshrl.u32 s31, $0x3  }
0xf: {  	v3 =	vor.u32 $0x20, v0;
	v4 =	vor.u32 $0x30, v0;
	v5 =	vor.u32 $0x40, v0;
	s13 =	sadd.s32 s2, s16;
	s16 =	sadd.s32 s0, s16;
	s11 =	sadd.s32 s2, s6  }
0x10: {  	v6 =	vor.u32 $0x50, v0;
	v7 =	vor.u32 $0x60, v0;
	v8 =	vor.u32 $0x70, v0;
	s12 =	sadd.s32 s2, s7;
	s14 =	sadd.s32 s0, s6;
	s15 =	sadd.s32 s0, s7  }
.LBB2_1:
0x11: {  	s0 =	rddreg [dreg:$0x3]  }
0x12: {  	[tilespmem:s3], [sflag:$0x1] =	stream.strided.gather [hbm4b:s0+s18], $0x8000, s19, s18, $0x38;
	[tilespmem:$0x18080] =	vst v63  }
0x13: {  	s1 =	simm.s32 $0x200;
	s0 =	simm.s32 $0x0  }
.LBB2_2:
0x14: {  	p0 =	sne.s32 s1, $0x1FE00;
	[tilespmem:s0+$0x10070] =	vst v1  }
0x15: {  	[tilespmem:s0+$0x10000] =	vst v1  }
0x16: {  	[tilespmem:s0+$0x10010] =	vst v1  }
.Ltmp0:
0x17: {  	[tilespmem:s0+$0x10020] =	vst v1;
	(pc) =	sbr.rel @p0 .LBB2_2-.Ltmp0, $4  }
0x18: {  	[tilespmem:s0+$0x10030] =	vst v1  }
0x19: {  	[tilespmem:s0+$0x10040] =	vst v1  }
0x1a: {  	[tilespmem:s0+$0x10050] =	vst v1  }
0x1b: {  	[tilespmem:s0+$0x10060] =	vst v1;
	s0 =	sshra.s32 s1, $0x2;
	s1 =	sadd.s32 $0x200, s1  }
0x1c: {  	[tilespmem:s0+$0x10070] =	vst v1  }
0x1d: {  	[tilespmem:s0+$0x10000] =	vst v1  }
0x1e: {  	[tilespmem:s0+$0x10010] =	vst v1  }
0x1f: {  	[tilespmem:s0+$0x10020] =	vst v1  }
0x20: {  	[tilespmem:s0+$0x10030] =	vst v1  }
0x21: {  	[tilespmem:s0+$0x10040] =	vst v1  }
0x22: {  	[tilespmem:s0+$0x10050] =	vst v1  }
0x23: {  	[tilespmem:s0+$0x10060] =	vst v1  }
0x24: {  	[tilespmem:$0x18000] =	vst v1  }
0x25: {  	[tilespmem:$0x18010] =	vst v1  }
0x26: {  	[tilespmem:$0x18020] =	vst v1  }
0x27: {  	s28 =	rddreg [dreg:$0x4];
	[tilespmem:$0x18030] =	vst v1  }
0x28: {  	[hbm4b:s28+s18] =	stream.strided.scatter [tilespmem:s20], [sflag:$0x2], $0x8000, s19, s18, $0x38;
	[tilespmem:$0x18080] =	vst v63  }
0x29: {  	_ = 	snop  }
0x2a: {  	[hbm4b:s11+s18] =	stream.strided.scatter [tilespmem:s20], [sflag:$0x2], $0x8000, s19, s18, $0x38;
	[tilespmem:$0x18080] =	vst v63  }
0x2b: {  	_ = 	snop  }
0x2c: {  	[hbm4b:s12+s18] =	stream.strided.scatter [tilespmem:s20], [sflag:$0x2], $0x8000, s19, s18, $0x38;
	[tilespmem:$0x18080] =	vst v63  }
0x2d: {  	_ = 	snop  }
0x2e: {  	[hbm4b:s13+s18] =	stream.strided.scatter [tilespmem:s20], [sflag:$0x2], $0x8000, s19, s18, $0x38;
	[tilespmem:$0x18080] =	vst v63  }
0x2f: {  	_ =	swait.ge [sflag:s21], $0x8000  }
0x30: {  	[sflag:s21] =	ssyncset.done $0x0  }
0x31: {  	s31 =	simm.s32 $0x0;
	[sflag:s21] =	ssyncadd.s32 $0xFFFF8000  }
0x32: {  	[tilespmem:s22], [sflag:$0x1] =	stream.strided.gather [hbm4b:s14+s18], $0x8000, s19, s18, $0x38;
	[tilespmem:$0x18080] =	vst v63  }
0x33: {  	v11 =	vld [tilespmem:s31+$0x0]  }
0x34: {  	v12 =	vld [tilespmem:s31+$0x10]  }
0x35: {  	v15 =	vld [tilespmem:s31+$0x20]  }
0x36: {  	v16 =	vld [tilespmem:s31+$0x30]  }
0x37: {  	v17 =	vld [tilespmem:s31+$0x40]  }
0x38: {  	v19 =	vld [tilespmem:s31+$0x50]  }
0x39: {  	v21 =	vld [tilespmem:s31+$0x60];
	_ =	sdelay $0x1  }
0x3a: {  	v22 =	vimm.f32 $-Inf;
	v10 =	vimm.s32 $0x0;
	v23 =	vld [tilespmem:s31+$0x70]  }
0x3b: {  	s0 =	simm.s32 $0x80;
	v33 =	vimm.s32 $0x0;
	vm0 =	vgt.f32 v11, v22;
	vm1 =	vgt.f32 v12, v22  }
0x3c: {  	v14 =	vld [tilespmem:s0+$0x0];
	vm2 =	vgt.f32 v15, v22;
	vm3 =	vgt.f32 v16, v22;
	vm4 =	vgt.f32 v17, v22  }
0x3d: {  	v20 =	vld [tilespmem:s0+$0x10];
	vm5 =	vgt.f32 v19, v22;
	vm6 =	vgt.f32 v21, v22;
	v11 =	vsel vm0, v11, v22  }
0x3e: {  	v18 =	vld [tilespmem:s0+$0x20];
	v13 =	vsel vm0, v10, v10;
	v12 =	vsel vm1, v12, v22;
	v15 =	vsel vm2, v15, v22  }
0x3f: {  	v29 =	vld [tilespmem:s0+$0x30];
	v16 =	vsel vm3, v16, v22;
	v17 =	vsel vm4, v17, v22;
	vm0 =	vgt.f32 v23, v22  }
0x40: {  	v31 =	vld [tilespmem:s0+$0x40];
	v19 =	vsel vm5, v19, v22;
	v21 =	vsel vm6, v21, v22;
	v24 =	vsel vm2, v10, v10  }
0x41: {  	v30 =	vld [tilespmem:s0+$0x50];
	v25 =	vsel vm3, v10, v10;
	v26 =	vsel vm4, v10, v10;
	v27 =	vsel vm5, v10, v10  }
0x42: {  	s1 =	simm.s32 $0x400;
	v32 =	vld [tilespmem:s0+$0x60];
	v28 =	vsel vm6, v10, v10;
	v22 =	vsel vm0, v23, v22;
	v23 =	vsel vm1, v10, v10  }
.LBB2_4:
0x43: {  	p0 =	sne.s32 s1, $0x1FE00;
	v34 =	vld [tilespmem:s0+$0x70];
	v33 =	vsel vm0, v10, v33  }
0x44: {  	s0 =	sshra.s32 s1, $0x2;
	vm0 =	vgt.f32 v14, v11;
	vm1 =	vgt.f32 v20, v12;
	v10 =	vadd.s32 $0x80, v10  }
0x45: {  	v11 =	vsel vm0, v14, v11;
	v13 =	vsel vm0, v10, v13;
	v12 =	vsel vm1, v20, v12;
	v14 =	vld [tilespmem:s0+$0x0]  }
0x46: {  	vm2 =	vgt.f32 v18, v15;
	vm3 =	vgt.f32 v29, v16;
	vm4 =	vgt.f32 v31, v17;
	v20 =	vld [tilespmem:s0+$0x10]  }
.Ltmp1:
0x47: {  	v15 =	vsel vm2, v18, v15;
	v16 =	vsel vm3, v29, v16;
	v17 =	vsel vm4, v31, v17;
	v18 =	vld [tilespmem:s0+$0x20];
	(pc) =	sbr.rel @p0 .LBB2_4-.Ltmp1, $4  }
0x48: {  	vm5 =	vgt.f32 v30, v19;
	vm6 =	vgt.f32 v32, v21;
	v29 =	vld [tilespmem:s0+$0x30];
	vm0 =	vgt.f32 v34, v22  }
0x49: {  	v19 =	vsel vm5, v30, v19;
	v21 =	vsel vm6, v32, v21;
	v31 =	vld [tilespmem:s0+$0x40];
	v22 =	vsel vm0, v34, v22  }
0x4a: {  	v23 =	vsel vm1, v10, v23;
	v24 =	vsel vm2, v10, v24;
	v25 =	vsel vm3, v10, v25;
	v30 =	vld [tilespmem:s0+$0x50]  }
0x4b: {  	s1 =	sadd.s32 $0x200, s1;
	v26 =	vsel vm4, v10, v26;
	v27 =	vsel vm5, v10, v27;
	v28 =	vsel vm6, v10, v28;
	v32 =	vld [tilespmem:s0+$0x60]  }
0x4c: {  	v33 =	vsel vm0, v10, v33;
	vm0 =	vgt.f32 v14, v11  }
0x4d: {  	vm1 =	vgt.f32 v20, v12;
	v10 =	vadd.s32 $0x80, v10;
	v11 =	vsel vm0, v14, v11  }
0x4e: {  	v34 =	vld [tilespmem:s0+$0x70];
	v13 =	vsel vm0, v10, v13;
	v12 =	vsel vm1, v20, v12;
	vm0 =	vgt.f32 v18, v15  }
0x4f: {  	vm2 =	vgt.f32 v29, v16;
	v20 =	vsel vm1, v10, v23;
	vm3 =	vgt.f32 v31, v17  }
0x50: {  	v14 =	vsel vm0, v18, v15;
	v15 =	vsel vm2, v29, v16;
	v13 =	vor.u32 v0, v13  }
0x51: {  	v20 =	vor.u32 v2, v20;
	v16 =	vsel vm3, v31, v17;
	vm4 =	vgt.f32 v30, v19  }
0x52: {  	v23 =	vsel vm3, v10, v26;
	vm5 =	vgt.f32 v32, v21;
	v17 =	vsel vm4, v30, v19  }
0x53: {  	v23 =	vor.u32 v5, v23;
	vm1 =	veq.f32 v16, v11;
	vm6 =	vgt.f32 v34, v22  }
0x54: {  	v18 =	vsel vm5, v32, v21;
	v21 =	vsel vm0, v10, v24;
	v24 =	vsel vm4, v10, v27  }
0x55: {  	vm0 =	vgt.f32 v16, v11;
	vm3 =	veq.f32 v17, v12;
	v19 =	vsel vm6, v34, v22  }
0x56: {  	v22 =	vsel vm2, v10, v25;
	v25 =	vsel vm5, v10, v28;
	v10 =	vsel vm6, v10, v33  }
0x57: {  	v21 =	vor.u32 v3, v21;
	v24 =	vor.u32 v6, v24;
	vm2 =	vlt.s32 v23, v13  }
0x58: {  	v22 =	vor.u32 v4, v22;
	v25 =	vor.u32 v7, v25;
	vm11 =	vlt.s32 v24, v20  }
0x59: {  	vm1 =	vmand vm1, vm2;
	vm2 =	vgt.f32 v17, v12;
	v10 =	vor.u32 v8, v10  }
0x5a: {  	vm3 =	vmand vm3, vm11;
	vm0 =	vmor vm0, vm1;
	vm12 =	vlt.s32 v10, v22  }
0x5b: {  	vm1 =	vmor vm2, vm3;
	v11 =	vsel vm0, v16, v11;
	v13 =	vsel vm0, v23, v13  }
0x5c: {  	vm0 =	vgt.f32 v18, v14;
	vm2 =	veq.f32 v18, v14;
	vm3 =	vlt.s32 v25, v21  }
0x5d: {  	v12 =	vsel vm1, v17, v12;
	vm2 =	vmand vm2, vm3;
	vm3 =	veq.f32 v19, v15  }
0x5e: {  	vm0 =	vmor vm0, vm2;
	vm2 =	vgt.f32 v19, v15;
	vm3 =	vmand vm3, vm12  }
0x5f: {  	v16 =	vsel vm1, v24, v20;
	v14 =	vsel vm0, v18, v14;
	vm1 =	vmor vm2, vm3  }
0x60: {  	v17 =	vsel vm0, v25, v21;
	v15 =	vsel vm1, v19, v15;
	v10 =	vsel vm1, v10, v22  }
0x61: {  	vm0 =	vgt.f32 v14, v11;
	vm1 =	veq.f32 v14, v11;
	vm2 =	vlt.s32 v17, v13  }
0x62: {  	vm1 =	vmand vm1, vm2;
	vm2 =	veq.f32 v15, v12;
	vm3 =	vlt.s32 v10, v16  }
0x63: {  	vm0 =	vmor vm0, vm1;
	vm1 =	vgt.f32 v15, v12;
	vm2 =	vmand vm2, vm3  }
0x64: {  	v11 =	vsel vm0, v14, v11;
	vm1 =	vmor vm1, vm2  }
0x65: {  	v13 =	vsel vm0, v17, v13;
	v12 =	vsel vm1, v15, v12;
	v10 =	vsel vm1, v10, v16  }
0x66: {  	vm0 =	veq.f32 v12, v11;
	vm1 =	vlt.s32 v10, v13  }
0x67: {  	vm2 =	vgt.f32 v12, v11;
	vm0 =	vmand vm0, vm1  }
0x68: {  	vm0 =	vmor vm2, vm0  }
0x69: {  	v11 =	vsel vm0, v12, v11  }
0x6a: {  	(xrf0) =	vmax.scan.msk.f32 $0xffff, v11;
	_ =	sdelay $0x5  }
0x6b: {  	v12, _, _ =	vpop (xrf0)  }
0x6c: {  	v12 =	vbroadcast v12, $0xF  }
0x6d: {  	v10 =	vsel vm0, v10, v13  }
0x6e: {  	v10 =	vxor.u32 $0x80000000, v10;
	vm0 =	veq.f32 v11, v12  }
0x6f: {  	v10 =	vnsel vm0, $0x80008000, v10  }
0x70: {  	(xrf0) =	vmin.scan.msk.u32 $0xffff, v10;
	_ =	sdelay $0x5  }
0x71: {  	v10, _, _ =	vpop (xrf0)  }
0x72: {  	(v2sf) =	vpush v10, $0xF;
	_ =	sdelay $0xe  }
0x73: {  	s7 =	spop (v2sf)  }
0x74: {  	s1 =	sxor.u32 $0x80000000, s7  }
0x75: {  	p1 =	sgt.s32 s7, $0xFFFFFFFF;
	s0 =	sand.u32 $0xF, s7;
	p0 =	slt.s32 s1, $0x1  }
0x76: {  	s6 =	sshra.s32 s1, $0x1F;
	p6 =	sne.s32 s0, $0x0;
	p0 =	por p1, p0  }
0x77: {  	s25 =	sshrl.u32 s6, $0x1C;
	p0 =	por !p6, !p0  }
0x78: {  	s6 =	simm.s32 $0x1;
	s0 =	sadd.s32 s25, s1;
	p0 =	por !p0, !p0  }
0x79: {  	s0 =	sshra.s32 s0, $0x4;
	s6 =	simm.s32 @!p0 $0x0  }
0x7a: {  	s0 =	ssub.s32 s0, s6  }
0x7b: {  	s31 =	sshll.u32 s0, $0x4  }
0x7c: {  	s1 =	ssub.s32 s1, s31  }
0x7d: {  	v10 =	vmov s1;
	_ =	sdelay $0x4  }
0x7e: {  	[tilespmem:v10+s23+$0x0] =	vst.idx.msk $0x1, v9  }
0x7f: {  	_ =	swait.ge [sflag:s21], $0x8000  }
0x80: {  	[sflag:s21] =	ssyncset.done $0x0  }
0x81: {  	s26 =	simm.s32 $0x0;
	s28 =	simm.s32 $0x0;
	[sflag:s21] =	ssyncadd.s32 $0xFFFF8000  }
0x82: {  	[tilespmem:s26], [sflag:$0x1] =	stream.strided.gather [hbm4b:s15+s18], $0x8000, s19, s18, $0x38;
	[tilespmem:$0x18080] =	vst v63  }
0x83: {  	v11 =	vld [tilespmem:s28+$0x8000]  }
0x84: {  	v12 =	vld [tilespmem:s28+$0x8010]  }
0x85: {  	v15 =	vld [tilespmem:s28+$0x8020]  }
0x86: {  	v16 =	vld [tilespmem:s28+$0x8030]  }
0x87: {  	v17 =	vld [tilespmem:s28+$0x8040]  }
0x88: {  	v19 =	vld [tilespmem:s28+$0x8050]  }
0x89: {  	v21 =	vld [tilespmem:s28+$0x8060];
	_ =	sdelay $0x1  }
0x8a: {  	v33 =	vimm.s32 $0x0;
	v22 =	vimm.f32 $-Inf;
	v23 =	vld [tilespmem:s28+$0x8070]  }
0x8b: {  	s1 =	simm.s32 $0x80;
	v10 =	vimm.s32 $0x0;
	vm0 =	vgt.f32 v11, v22;
	vm1 =	vgt.f32 v12, v22  }
0x8c: {  	v14 =	vld [tilespmem:s1+$0x8000];
	vm2 =	vgt.f32 v15, v22;
	vm3 =	vgt.f32 v16, v22;
	vm13 =	vgt.f32 v17, v22  }
0x8d: {  	v20 =	vld [tilespmem:s1+$0x8010];
	vm14 =	vgt.f32 v19, v22;
	vm15 =	vgt.f32 v21, v22;
	v11 =	vsel vm0, v11, v22  }
0x8e: {  	v18 =	vld [tilespmem:s1+$0x8020];
	v13 =	vsel vm0, v10, v10;
	v12 =	vsel vm1, v12, v22;
	v15 =	vsel vm2, v15, v22  }
0x8f: {  	v29 =	vld [tilespmem:s1+$0x8030];
	v16 =	vsel vm3, v16, v22;
	v17 =	vsel vm13, v17, v22;
	vm0 =	vgt.f32 v23, v22  }
0x90: {  	v31 =	vld [tilespmem:s1+$0x8040];
	v19 =	vsel vm14, v19, v22;
	v21 =	vsel vm15, v21, v22;
	v24 =	vsel vm2, v10, v10  }
0x91: {  	v30 =	vld [tilespmem:s1+$0x8050];
	v25 =	vsel vm3, v10, v10;
	v26 =	vsel vm13, v10, v10;
	v27 =	vsel vm14, v10, v10  }
0x92: {  	s6 =	simm.s32 $0x400;
	v32 =	vld [tilespmem:s1+$0x8060];
	v28 =	vsel vm15, v10, v10;
	v22 =	vsel vm0, v23, v22;
	v23 =	vsel vm1, v10, v10  }
.LBB2_6:
0x93: {  	p0 =	sne.s32 s6, $0x1FE00;
	v34 =	vld [tilespmem:s1+$0x8070];
	v33 =	vsel vm0, v10, v33  }
0x94: {  	s1 =	sshra.s32 s6, $0x2;
	vm0 =	vgt.f32 v14, v11;
	vm1 =	vgt.f32 v20, v12;
	v10 =	vadd.s32 $0x80, v10  }
0x95: {  	v11 =	vsel vm0, v14, v11;
	v13 =	vsel vm0, v10, v13;
	v12 =	vsel vm1, v20, v12;
	v14 =	vld [tilespmem:s1+$0x8000]  }
0x96: {  	vm2 =	vgt.f32 v18, v15;
	vm3 =	vgt.f32 v29, v16;
	vm4 =	vgt.f32 v31, v17;
	v20 =	vld [tilespmem:s1+$0x8010]  }
.Ltmp2:
0x97: {  	v15 =	vsel vm2, v18, v15;
	v16 =	vsel vm3, v29, v16;
	v17 =	vsel vm4, v31, v17;
	v18 =	vld [tilespmem:s1+$0x8020];
	(pc) =	sbr.rel @p0 .LBB2_6-.Ltmp2, $4  }
0x98: {  	vm5 =	vgt.f32 v30, v19;
	vm6 =	vgt.f32 v32, v21;
	v29 =	vld [tilespmem:s1+$0x8030];
	vm0 =	vgt.f32 v34, v22  }
0x99: {  	v19 =	vsel vm5, v30, v19;
	v21 =	vsel vm6, v32, v21;
	v31 =	vld [tilespmem:s1+$0x8040];
	v22 =	vsel vm0, v34, v22  }
0x9a: {  	v23 =	vsel vm1, v10, v23;
	v24 =	vsel vm2, v10, v24;
	v25 =	vsel vm3, v10, v25;
	v30 =	vld [tilespmem:s1+$0x8050]  }
0x9b: {  	s6 =	sadd.s32 $0x200, s6;
	v26 =	vsel vm4, v10, v26;
	v27 =	vsel vm5, v10, v27;
	v28 =	vsel vm6, v10, v28;
	v32 =	vld [tilespmem:s1+$0x8060]  }
0x9c: {  	v33 =	vsel vm0, v10, v33;
	vm0 =	vgt.f32 v14, v11  }
0x9d: {  	vm1 =	vgt.f32 v20, v12;
	v10 =	vadd.s32 $0x80, v10;
	v11 =	vsel vm0, v14, v11  }
0x9e: {  	v34 =	vld [tilespmem:s1+$0x8070];
	v13 =	vsel vm0, v10, v13;
	v12 =	vsel vm1, v20, v12;
	vm0 =	vgt.f32 v18, v15  }
0x9f: {  	vm2 =	vgt.f32 v29, v16;
	v20 =	vsel vm1, v10, v23;
	vm3 =	vgt.f32 v31, v17  }
0xa0: {  	v14 =	vsel vm0, v18, v15;
	v15 =	vsel vm2, v29, v16;
	v13 =	vor.u32 v0, v13  }
0xa1: {  	v20 =	vor.u32 v2, v20;
	v16 =	vsel vm3, v31, v17;
	vm4 =	vgt.f32 v30, v19  }
0xa2: {  	v23 =	vsel vm3, v10, v26;
	vm5 =	vgt.f32 v32, v21;
	v17 =	vsel vm4, v30, v19  }
0xa3: {  	v23 =	vor.u32 v5, v23;
	vm1 =	veq.f32 v16, v11;
	vm6 =	vgt.f32 v34, v22  }
0xa4: {  	v18 =	vsel vm5, v32, v21;
	v21 =	vsel vm0, v10, v24;
	v24 =	vsel vm4, v10, v27  }
0xa5: {  	vm0 =	vgt.f32 v16, v11;
	vm3 =	veq.f32 v17, v12;
	v19 =	vsel vm6, v34, v22  }
0xa6: {  	v22 =	vsel vm2, v10, v25;
	v25 =	vsel vm5, v10, v28;
	v10 =	vsel vm6, v10, v33  }
0xa7: {  	v21 =	vor.u32 v3, v21;
	v24 =	vor.u32 v6, v24;
	vm2 =	vlt.s32 v23, v13  }
0xa8: {  	v22 =	vor.u32 v4, v22;
	v25 =	vor.u32 v7, v25;
	vm11 =	vlt.s32 v24, v20  }
0xa9: {  	vm1 =	vmand vm1, vm2;
	vm2 =	vgt.f32 v17, v12;
	v10 =	vor.u32 v8, v10  }
0xaa: {  	vm3 =	vmand vm3, vm11;
	vm0 =	vmor vm0, vm1;
	vm12 =	vlt.s32 v10, v22  }
0xab: {  	vm1 =	vmor vm2, vm3;
	v11 =	vsel vm0, v16, v11;
	v13 =	vsel vm0, v23, v13  }
0xac: {  	vm0 =	vgt.f32 v18, v14;
	vm2 =	veq.f32 v18, v14;
	vm3 =	vlt.s32 v25, v21  }
0xad: {  	v12 =	vsel vm1, v17, v12;
	vm2 =	vmand vm2, vm3;
	vm3 =	veq.f32 v19, v15  }
0xae: {  	vm0 =	vmor vm0, vm2;
	vm2 =	vgt.f32 v19, v15;
	vm3 =	vmand vm3, vm12  }
0xaf: {  	v16 =	vsel vm1, v24, v20;
	v14 =	vsel vm0, v18, v14;
	vm1 =	vmor vm2, vm3  }
0xb0: {  	v17 =	vsel vm0, v25, v21;
	v15 =	vsel vm1, v19, v15;
	v10 =	vsel vm1, v10, v22  }
0xb1: {  	vm0 =	vgt.f32 v14, v11;
	vm1 =	veq.f32 v14, v11;
	vm2 =	vlt.s32 v17, v13  }
0xb2: {  	vm1 =	vmand vm1, vm2;
	vm2 =	veq.f32 v15, v12;
	vm3 =	vlt.s32 v10, v16  }
0xb3: {  	vm0 =	vmor vm0, vm1;
	vm1 =	vgt.f32 v15, v12;
	vm2 =	vmand vm2, vm3  }
0xb4: {  	v11 =	vsel vm0, v14, v11;
	vm1 =	vmor vm1, vm2  }
0xb5: {  	v13 =	vsel vm0, v17, v13;
	v12 =	vsel vm1, v15, v12;
	v10 =	vsel vm1, v10, v16  }
0xb6: {  	vm0 =	veq.f32 v12, v11;
	vm1 =	vlt.s32 v10, v13  }
0xb7: {  	vm2 =	vgt.f32 v12, v11;
	vm0 =	vmand vm0, vm1  }
0xb8: {  	vm0 =	vmor vm2, vm0  }
0xb9: {  	v11 =	vsel vm0, v12, v11  }
0xba: {  	(xrf0) =	vmax.scan.msk.f32 $0xffff, v11;
	_ =	sdelay $0x5  }
0xbb: {  	v12, _, _ =	vpop (xrf0)  }
0xbc: {  	v12 =	vbroadcast v12, $0xF  }
0xbd: {  	v10 =	vsel vm0, v10, v13  }
0xbe: {  	v10 =	vxor.u32 $0x80000000, v10;
	vm0 =	veq.f32 v11, v12  }
0xbf: {  	v10 =	vnsel vm0, $0x80008000, v10  }
0xc0: {  	(xrf0) =	vmin.scan.msk.u32 $0xffff, v10;
	_ =	sdelay $0x5  }
0xc1: {  	v10, _, _ =	vpop (xrf0)  }
0xc2: {  	(v2sf) =	vpush v10, $0xF;
	_ =	sdelay $0xe  }
0xc3: {  	s25 =	spop (v2sf)  }
0xc4: {  	s6 =	sxor.u32 $0x80000000, s25  }
0xc5: {  	p1 =	sgt.s32 s25, $0xFFFFFFFF;
	s1 =	sand.u32 $0xF, s25;
	p0 =	slt.s32 s6, $0x1  }
0xc6: {  	s7 =	sshra.s32 s6, $0x1F;
	p6 =	sne.s32 s1, $0x0;
	p0 =	por p1, p0  }
0xc7: {  	s26 =	sshrl.u32 s7, $0x1C;
	p0 =	por !p6, !p0  }
0xc8: {  	s7 =	simm.s32 $0x1;
	s1 =	sadd.s32 s26, s6;
	p0 =	por !p0, !p0  }
0xc9: {  	s1 =	sshra.s32 s1, $0x4;
	s7 =	simm.s32 @!p0 $0x0  }
0xca: {  	s25 =	ssub.s32 s1, s7  }
0xcb: {  	s1 =	sshll.u32 s25, $0x4  }
0xcc: {  	s6 =	ssub.s32 s6, s1  }
0xcd: {  	v10 =	vmov s6  }
0xce: {  	v10 =	vadd.s32 $0x10, v10  }
0xcf: {  	v10 =	vbroadcast v10, $0x0;
	_ =	sdelay $0x5  }
0xd0: {  	[tilespmem:v10+s23+$0x0] =	vst.idx.msk $0x1, v9  }
0xd1: {  	_ =	swait.ge [sflag:s21], $0x8000  }
0xd2: {  	[sflag:s21] =	ssyncset.done $0x0  }
0xd3: {  	s28 =	simm.s32 $0x0;
	[sflag:s21] =	ssyncadd.s32 $0xFFFF8000  }
0xd4: {  	[tilespmem:s22], [sflag:$0x1] =	stream.strided.gather [hbm4b:s16+s18], $0x8000, s19, s18, $0x38;
	[tilespmem:$0x18080] =	vst v63  }
0xd5: {  	v11 =	vld [tilespmem:s28+$0x0]  }
0xd6: {  	v12 =	vld [tilespmem:s28+$0x10]  }
0xd7: {  	v15 =	vld [tilespmem:s28+$0x20]  }
0xd8: {  	v16 =	vld [tilespmem:s28+$0x30]  }
0xd9: {  	v17 =	vld [tilespmem:s28+$0x40]  }
0xda: {  	v19 =	vld [tilespmem:s28+$0x50]  }
0xdb: {  	v21 =	vld [tilespmem:s28+$0x60];
	_ =	sdelay $0x1  }
0xdc: {  	v33 =	vimm.s32 $0x0;
	v22 =	vimm.f32 $-Inf;
	v23 =	vld [tilespmem:s28+$0x70]  }
0xdd: {  	s26 =	simm.s32 $0x80;
	v10 =	vimm.s32 $0x0;
	vm0 =	vgt.f32 v11, v22;
	vm1 =	vgt.f32 v12, v22  }
0xde: {  	v14 =	vld [tilespmem:s26+$0x0];
	vm2 =	vgt.f32 v15, v22;
	vm3 =	vgt.f32 v16, v22;
	vm13 =	vgt.f32 v17, v22  }
0xdf: {  	v20 =	vld [tilespmem:s26+$0x10];
	vm14 =	vgt.f32 v19, v22;
	vm15 =	vgt.f32 v21, v22;
	v11 =	vsel vm0, v11, v22  }
0xe0: {  	v18 =	vld [tilespmem:s26+$0x20];
	v13 =	vsel vm0, v10, v10;
	v12 =	vsel vm1, v12, v22;
	v15 =	vsel vm2, v15, v22  }
0xe1: {  	v29 =	vld [tilespmem:s26+$0x30];
	v16 =	vsel vm3, v16, v22;
	v17 =	vsel vm13, v17, v22;
	vm0 =	vgt.f32 v23, v22  }
0xe2: {  	v31 =	vld [tilespmem:s26+$0x40];
	v19 =	vsel vm14, v19, v22;
	v21 =	vsel vm15, v21, v22;
	v24 =	vsel vm2, v10, v10  }
0xe3: {  	v30 =	vld [tilespmem:s26+$0x50];
	v25 =	vsel vm3, v10, v10;
	v26 =	vsel vm13, v10, v10;
	v27 =	vsel vm14, v10, v10  }
0xe4: {  	s6 =	simm.s32 $0x400;
	v32 =	vld [tilespmem:s26+$0x60];
	v28 =	vsel vm15, v10, v10;
	v22 =	vsel vm0, v23, v22;
	v23 =	vsel vm1, v10, v10  }
.LBB2_8:
0xe5: {  	p0 =	sne.s32 s6, $0x1FE00;
	v34 =	vld [tilespmem:s26+$0x70];
	v33 =	vsel vm0, v10, v33  }
0xe6: {  	s26 =	sshra.s32 s6, $0x2;
	vm0 =	vgt.f32 v14, v11;
	vm1 =	vgt.f32 v20, v12;
	v10 =	vadd.s32 $0x80, v10  }
0xe7: {  	v11 =	vsel vm0, v14, v11;
	v13 =	vsel vm0, v10, v13;
	v12 =	vsel vm1, v20, v12;
	v14 =	vld [tilespmem:s26+$0x0]  }
0xe8: {  	vm2 =	vgt.f32 v18, v15;
	vm3 =	vgt.f32 v29, v16;
	vm4 =	vgt.f32 v31, v17;
	v20 =	vld [tilespmem:s26+$0x10]  }
.Ltmp3:
0xe9: {  	v15 =	vsel vm2, v18, v15;
	v16 =	vsel vm3, v29, v16;
	v17 =	vsel vm4, v31, v17;
	v18 =	vld [tilespmem:s26+$0x20];
	(pc) =	sbr.rel @p0 .LBB2_8-.Ltmp3, $4  }
0xea: {  	vm5 =	vgt.f32 v30, v19;
	vm6 =	vgt.f32 v32, v21;
	v29 =	vld [tilespmem:s26+$0x30];
	vm0 =	vgt.f32 v34, v22  }
0xeb: {  	v19 =	vsel vm5, v30, v19;
	v21 =	vsel vm6, v32, v21;
	v31 =	vld [tilespmem:s26+$0x40];
	v22 =	vsel vm0, v34, v22  }
0xec: {  	v23 =	vsel vm1, v10, v23;
	v24 =	vsel vm2, v10, v24;
	v25 =	vsel vm3, v10, v25;
	v30 =	vld [tilespmem:s26+$0x50]  }
0xed: {  	s6 =	sadd.s32 $0x200, s6;
	v26 =	vsel vm4, v10, v26;
	v27 =	vsel vm5, v10, v27;
	v28 =	vsel vm6, v10, v28;
	v32 =	vld [tilespmem:s26+$0x60]  }
0xee: {  	v33 =	vsel vm0, v10, v33;
	vm0 =	vgt.f32 v14, v11  }
0xef: {  	vm1 =	vgt.f32 v20, v12;
	v10 =	vadd.s32 $0x80, v10;
	v11 =	vsel vm0, v14, v11  }
0xf0: {  	v34 =	vld [tilespmem:s26+$0x70];
	v13 =	vsel vm0, v10, v13;
	v12 =	vsel vm1, v20, v12;
	vm0 =	vgt.f32 v18, v15  }
0xf1: {  	vm2 =	vgt.f32 v29, v16;
	v20 =	vsel vm1, v10, v23;
	vm3 =	vgt.f32 v31, v17  }
0xf2: {  	v14 =	vsel vm0, v18, v15;
	v15 =	vsel vm2, v29, v16;
	v13 =	vor.u32 v0, v13  }
0xf3: {  	v20 =	vor.u32 v2, v20;
	v16 =	vsel vm3, v31, v17;
	vm4 =	vgt.f32 v30, v19  }
0xf4: {  	v23 =	vsel vm3, v10, v26;
	vm5 =	vgt.f32 v32, v21;
	v17 =	vsel vm4, v30, v19  }
0xf5: {  	v23 =	vor.u32 v5, v23;
	vm1 =	veq.f32 v16, v11;
	vm6 =	vgt.f32 v34, v22  }
0xf6: {  	v18 =	vsel vm5, v32, v21;
	v21 =	vsel vm0, v10, v24;
	v24 =	vsel vm4, v10, v27  }
0xf7: {  	vm0 =	vgt.f32 v16, v11;
	vm3 =	veq.f32 v17, v12;
	v19 =	vsel vm6, v34, v22  }
0xf8: {  	v22 =	vsel vm2, v10, v25;
	v25 =	vsel vm5, v10, v28;
	v10 =	vsel vm6, v10, v33  }
0xf9: {  	v21 =	vor.u32 v3, v21;
	v24 =	vor.u32 v6, v24;
	vm2 =	vlt.s32 v23, v13  }
0xfa: {  	v22 =	vor.u32 v4, v22;
	v25 =	vor.u32 v7, v25;
	vm11 =	vlt.s32 v24, v20  }
0xfb: {  	vm1 =	vmand vm1, vm2;
	vm2 =	vgt.f32 v17, v12;
	v10 =	vor.u32 v8, v10  }
0xfc: {  	vm3 =	vmand vm3, vm11;
	vm0 =	vmor vm0, vm1;
	vm12 =	vlt.s32 v10, v22  }
0xfd: {  	vm1 =	vmor vm2, vm3;
	v11 =	vsel vm0, v16, v11;
	v13 =	vsel vm0, v23, v13  }
0xfe: {  	vm0 =	vgt.f32 v18, v14;
	vm2 =	veq.f32 v18, v14;
	vm3 =	vlt.s32 v25, v21  }
0xff: {  	v12 =	vsel vm1, v17, v12;
	vm2 =	vmand vm2, vm3;
	vm3 =	veq.f32 v19, v15  }
0x100: {  	vm0 =	vmor vm0, vm2;
	vm2 =	vgt.f32 v19, v15;
	vm3 =	vmand vm3, vm12  }
0x101: {  	v16 =	vsel vm1, v24, v20;
	v14 =	vsel vm0, v18, v14;
	vm1 =	vmor vm2, vm3  }
0x102: {  	v17 =	vsel vm0, v25, v21;
	v15 =	vsel vm1, v19, v15;
	v10 =	vsel vm1, v10, v22  }
0x103: {  	vm0 =	vgt.f32 v14, v11;
	vm1 =	veq.f32 v14, v11;
	vm2 =	vlt.s32 v17, v13  }
0x104: {  	vm1 =	vmand vm1, vm2;
	vm2 =	veq.f32 v15, v12;
	vm3 =	vlt.s32 v10, v16  }
0x105: {  	vm0 =	vmor vm0, vm1;
	vm1 =	vgt.f32 v15, v12;
	vm2 =	vmand vm2, vm3  }
0x106: {  	v11 =	vsel vm0, v14, v11;
	vm1 =	vmor vm1, vm2  }
0x107: {  	v13 =	vsel vm0, v17, v13;
	v12 =	vsel vm1, v15, v12;
	v10 =	vsel vm1, v10, v16  }
0x108: {  	vm0 =	veq.f32 v12, v11;
	vm1 =	vlt.s32 v10, v13  }
0x109: {  	vm2 =	vgt.f32 v12, v11;
	vm0 =	vmand vm0, vm1  }
0x10a: {  	vm0 =	vmor vm2, vm0  }
0x10b: {  	v11 =	vsel vm0, v12, v11  }
0x10c: {  	(xrf0) =	vmax.scan.msk.f32 $0xffff, v11;
	_ =	sdelay $0x5  }
0x10d: {  	v12, _, _ =	vpop (xrf0)  }
0x10e: {  	v12 =	vbroadcast v12, $0xF  }
0x10f: {  	v10 =	vsel vm0, v10, v13  }
0x110: {  	v10 =	vxor.u32 $0x80000000, v10;
	vm0 =	veq.f32 v11, v12  }
0x111: {  	v10 =	vnsel vm0, $0x80008000, v10  }
0x112: {  	(xrf0) =	vmin.scan.msk.u32 $0xffff, v10;
	_ =	sdelay $0x5  }
0x113: {  	v10, _, _ =	vpop (xrf0)  }
0x114: {  	(v2sf) =	vpush v10, $0xF;
	_ =	sdelay $0xe  }
0x115: {  	s6 =	spop (v2sf)  }
0x116: {  	s7 =	sxor.u32 $0x80000000, s6  }
0x117: {  	p1 =	sgt.s32 s6, $0xFFFFFFFF;
	s6 =	sand.u32 $0xF, s6;
	p0 =	slt.s32 s7, $0x1  }
0x118: {  	s22 =	sshra.s32 s7, $0x1F;
	p6 =	sne.s32 s6, $0x0;
	p0 =	por p1, p0  }
0x119: {  	s26 =	sshrl.u32 s22, $0x1C;
	p0 =	por !p6, !p0  }
0x11a: {  	s6 =	sadd.s32 s26, s7;
	s26 =	simm.s32 $0x1;
	p0 =	por !p0, !p0  }
0x11b: {  	s6 =	sshra.s32 s6, $0x4;
	s26 =	simm.s32 @!p0 $0x0  }
0x11c: {  	s28 =	ssub.s32 s6, s26  }
0x11d: {  	s26 =	sshll.u32 s28, $0x4  }
0x11e: {  	s7 =	ssub.s32 s7, s26  }
0x11f: {  	v10 =	vmov s7  }
0x120: {  	v10 =	vadd.s32 $0x20, v10  }
0x121: {  	v10 =	vbroadcast v10, $0x0;
	_ =	sdelay $0x5  }
0x122: {  	[tilespmem:v10+s23+$0x0] =	vst.idx.msk $0x1, v9  }
0x123: {  	_ =	swait.ge [sflag:s21], $0x8000  }
0x124: {  	[sflag:s21] =	ssyncset.done $0x0  }
0x125: {  	s22 =	simm.s32 $0x0;
	[sflag:s21] =	ssyncadd.s32 $0xFFFF8000  }
0x126: {  	v11 =	vld [tilespmem:s22+$0x8000]  }
0x127: {  	v12 =	vld [tilespmem:s22+$0x8010]  }
0x128: {  	v15 =	vld [tilespmem:s22+$0x8020]  }
0x129: {  	v16 =	vld [tilespmem:s22+$0x8030]  }
0x12a: {  	v17 =	vld [tilespmem:s22+$0x8040]  }
0x12b: {  	v19 =	vld [tilespmem:s22+$0x8050]  }
0x12c: {  	v21 =	vld [tilespmem:s22+$0x8060];
	_ =	sdelay $0x1  }
0x12d: {  	v33 =	vimm.s32 $0x0;
	v22 =	vimm.f32 $-Inf;
	v23 =	vld [tilespmem:s22+$0x8070]  }
0x12e: {  	s6 =	simm.s32 $0x80;
	v10 =	vimm.s32 $0x0;
	vm0 =	vgt.f32 v11, v22;
	vm1 =	vgt.f32 v12, v22  }
0x12f: {  	v14 =	vld [tilespmem:s6+$0x8000];
	vm2 =	vgt.f32 v15, v22;
	vm3 =	vgt.f32 v16, v22;
	vm13 =	vgt.f32 v17, v22  }
0x130: {  	v20 =	vld [tilespmem:s6+$0x8010];
	vm14 =	vgt.f32 v19, v22;
	vm15 =	vgt.f32 v21, v22;
	v11 =	vsel vm0, v11, v22  }
0x131: {  	v18 =	vld [tilespmem:s6+$0x8020];
	v13 =	vsel vm0, v10, v10;
	v12 =	vsel vm1, v12, v22;
	v15 =	vsel vm2, v15, v22  }
0x132: {  	v29 =	vld [tilespmem:s6+$0x8030];
	v16 =	vsel vm3, v16, v22;
	v17 =	vsel vm13, v17, v22;
	vm0 =	vgt.f32 v23, v22  }
0x133: {  	v31 =	vld [tilespmem:s6+$0x8040];
	v19 =	vsel vm14, v19, v22;
	v21 =	vsel vm15, v21, v22;
	v24 =	vsel vm2, v10, v10  }
0x134: {  	v30 =	vld [tilespmem:s6+$0x8050];
	v25 =	vsel vm3, v10, v10;
	v26 =	vsel vm13, v10, v10;
	v27 =	vsel vm14, v10, v10  }
0x135: {  	s7 =	simm.s32 $0x400;
	v32 =	vld [tilespmem:s6+$0x8060];
	v28 =	vsel vm15, v10, v10;
	v22 =	vsel vm0, v23, v22;
	v23 =	vsel vm1, v10, v10  }
.LBB2_10:
0x136: {  	p0 =	sne.s32 s7, $0x1FE00;
	v34 =	vld [tilespmem:s6+$0x8070];
	v33 =	vsel vm0, v10, v33  }
0x137: {  	s6 =	sshra.s32 s7, $0x2;
	vm0 =	vgt.f32 v14, v11;
	vm1 =	vgt.f32 v20, v12;
	v10 =	vadd.s32 $0x80, v10  }
0x138: {  	v11 =	vsel vm0, v14, v11;
	v13 =	vsel vm0, v10, v13;
	v12 =	vsel vm1, v20, v12;
	v14 =	vld [tilespmem:s6+$0x8000]  }
0x139: {  	vm2 =	vgt.f32 v18, v15;
	vm3 =	vgt.f32 v29, v16;
	vm4 =	vgt.f32 v31, v17;
	v20 =	vld [tilespmem:s6+$0x8010]  }
.Ltmp4:
0x13a: {  	v15 =	vsel vm2, v18, v15;
	v16 =	vsel vm3, v29, v16;
	v17 =	vsel vm4, v31, v17;
	v18 =	vld [tilespmem:s6+$0x8020];
	(pc) =	sbr.rel @p0 .LBB2_10-.Ltmp4, $4  }
0x13b: {  	vm5 =	vgt.f32 v30, v19;
	vm6 =	vgt.f32 v32, v21;
	v29 =	vld [tilespmem:s6+$0x8030];
	vm0 =	vgt.f32 v34, v22  }
0x13c: {  	v19 =	vsel vm5, v30, v19;
	v21 =	vsel vm6, v32, v21;
	v31 =	vld [tilespmem:s6+$0x8040];
	v22 =	vsel vm0, v34, v22  }
0x13d: {  	v23 =	vsel vm1, v10, v23;
	v24 =	vsel vm2, v10, v24;
	v25 =	vsel vm3, v10, v25;
	v30 =	vld [tilespmem:s6+$0x8050]  }
0x13e: {  	s7 =	sadd.s32 $0x200, s7;
	v26 =	vsel vm4, v10, v26;
	v27 =	vsel vm5, v10, v27;
	v28 =	vsel vm6, v10, v28;
	v32 =	vld [tilespmem:s6+$0x8060]  }
0x13f: {  	v33 =	vsel vm0, v10, v33;
	vm9 =	vgt.f32 v14, v11  }
0x140: {  	vm1 =	vgt.f32 v20, v12;
	v10 =	vadd.s32 $0x80, v10;
	vm10 =	vgt.f32 v18, v15  }
0x141: {  	v11 =	vsel vm9, v14, v11;
	v13 =	vsel vm9, v10, v13;
	v12 =	vsel vm1, v20, v12  }
0x142: {  	vm2 =	vgt.f32 v29, v16;
	v49 =	vsel vm10, v18, v15;
	v55 =	vsel vm1, v10, v23  }
0x143: {  	v34 =	vld [tilespmem:s6+$0x8070];
	v56 =	vsel vm10, v10, v24;
	vm3 =	vgt.f32 v31, v17;
	v50 =	vsel vm2, v29, v16  }
0x144: {  	v57 =	vsel vm2, v10, v25;
	v13 =	vor.u32 v0, v13;
	v20 =	vor.u32 v2, v55  }
0x145: {  	v51 =	vsel vm3, v31, v17;
	vm4 =	vgt.f32 v30, v19;
	v58 =	vsel vm3, v10, v26  }
0x146: {  	vm5 =	vgt.f32 v32, v21;
	v52 =	vsel vm4, v30, v19;
	v59 =	vsel vm4, v10, v27  }
0x147: {  	v23 =	vor.u32 v5, v58;
	vm11 =	vgt.f32 v51, v11;
	vm12 =	veq.f32 v51, v11  }
0x148: {  	vm6 =	vgt.f32 v34, v22;
	v53 =	vsel vm5, v32, v21;
	v60 =	vsel vm5, v10, v28  }
0x149: {  	v21 =	vor.u32 v3, v56;
	v24 =	vor.u32 v6, v59;
	vm13 =	vlt.s32 v23, v13  }
0x14a: {  	vm14 =	veq.f32 v52, v12;
	vm8 =	vgt.f32 v52, v12;
	v54 =	vsel vm6, v34, v22  }
0x14b: {  	v10 =	vsel vm6, v10, v33;
	v22 =	vor.u32 v4, v57;
	v25 =	vor.u32 v7, v60  }
0x14c: {  	vm15 =	vlt.s32 v24, v20;
	vm1 =	vmand vm12, vm13;
	vm10 =	vgt.f32 v53, v49  }
0x14d: {  	vm3 =	vmand vm14, vm15;
	v10 =	vor.u32 v8, v10;
	vm0 =	vmor vm11, vm1  }
0x14e: {  	vm11 =	veq.f32 v53, v49;
	vm12 =	vlt.s32 v25, v21;
	vm13 =	veq.f32 v54, v50  }
0x14f: {  	vm15 =	vgt.f32 v54, v50;
	vm9 =	vmor vm8, vm3;
	v11 =	vsel vm0, v51, v11  }
0x150: {  	v13 =	vsel vm0, v23, v13;
	vm2 =	vmand vm11, vm12;
	vm14 =	vlt.s32 v10, v22  }
0x151: {  	v12 =	vsel vm9, v52, v12;
	vm0 =	vmor vm10, vm2;
	vm3 =	vmand vm13, vm14  }
0x152: {  	v61 =	vsel vm9, v24, v20;
	v14 =	vsel vm0, v53, v49;
	vm6 =	vmor vm15, vm3  }
0x153: {  	v62 =	vsel vm0, v25, v21;
	v15 =	vsel vm6, v54, v50;
	v10 =	vsel vm6, v10, v22  }
0x154: {  	vm7 =	vgt.f32 v14, v11;
	vm8 =	veq.f32 v14, v11;
	vm9 =	vlt.s32 v62, v13  }
0x155: {  	vm1 =	vmand vm8, vm9;
	vm10 =	veq.f32 v15, v12;
	vm11 =	vlt.s32 v10, v61  }
0x156: {  	vm12 =	vgt.f32 v15, v12;
	vm0 =	vmor vm7, vm1;
	vm2 =	vmand vm10, vm11  }
0x157: {  	v11 =	vsel vm0, v14, v11;
	vm1 =	vmor vm12, vm2  }
0x158: {  	v13 =	vsel vm0, v62, v13;
	v12 =	vsel vm1, v15, v12;
	v10 =	vsel vm1, v10, v61  }
0x159: {  	vm13 =	veq.f32 v12, v11;
	vm1 =	vlt.s32 v10, v13  }
0x15a: {  	vm14 =	vgt.f32 v12, v11;
	vm0 =	vmand vm13, vm1  }
0x15b: {  	vm0 =	vmor vm14, vm0  }
0x15c: {  	v11 =	vsel vm0, v12, v11  }
0x15d: {  	(xrf0) =	vmax.scan.msk.f32 $0xffff, v11;
	_ =	sdelay $0x5  }
0x15e: {  	v63, _, _ =	vpop (xrf0)  }
0x15f: {  	v12 =	vbroadcast v63, $0xF  }
0x160: {  	v10 =	vsel vm0, v10, v13  }
0x161: {  	v10 =	vxor.u32 $0x80000000, v10;
	vm15 =	veq.f32 v11, v12  }
0x162: {  	v10 =	vnsel vm15, $0x80008000, v10  }
0x163: {  	(xrf0) =	vmin.scan.msk.u32 $0xffff, v10;
	_ =	sdelay $0x5  }
0x164: {  	v10, _, _ =	vpop (xrf0)  }
0x165: {  	(v2sf) =	vpush v10, $0xF;
	_ =	sdelay $0xe  }
0x166: {  	s22 =	spop (v2sf)  }
0x167: {  	s7 =	sxor.u32 $0x80000000, s22  }
0x168: {  	p1 =	sgt.s32 s22, $0xFFFFFFFF;
	s6 =	sand.u32 $0xF, s22;
	p0 =	slt.s32 s7, $0x1  }
0x169: {  	s22 =	sshra.s32 s7, $0x1F;
	p6 =	sne.s32 s6, $0x0;
	p0 =	por p1, p0  }
0x16a: {  	s22 =	sshrl.u32 s22, $0x1C;
	p0 =	por !p6, !p0  }
0x16b: {  	s6 =	sadd.s32 s22, s7;
	s22 =	simm.s32 $0x1;
	p0 =	por !p0, !p0  }
0x16c: {  	s6 =	sshra.s32 s6, $0x4;
	s22 =	simm.s32 @!p0 $0x0  }
0x16d: {  	s6 =	ssub.s32 s6, s22  }
0x16e: {  	s22 =	sshll.u32 s6, $0x4  }
0x16f: {  	s7 =	ssub.s32 s7, s22  }
0x170: {  	v10 =	vmov s7  }
0x171: {  	v10 =	vadd.s32 $0x30, v10  }
0x172: {  	v10 =	vbroadcast v10, $0x0;
	_ =	sdelay $0x5  }
0x173: {  	[tilespmem:v10+s23+$0x0] =	vst.idx.msk $0x1, v9  }
0x174: {  	_ =	swait.ge [sflag:s24], $0x8000  }
0x175: {  	[sflag:s24] =	ssyncset.done $0x0  }
0x176: {  	[sflag:s24] =	ssyncadd.s32 $0xFFFF8000  }
0x177: {  	_ =	swait.ge [sflag:s24], $0x8000  }
0x178: {  	[sflag:s24] =	ssyncset.done $0x0  }
0x179: {  	s0 =	sshll.u32 s0, $0x7;
	[sflag:s24] =	ssyncadd.s32 $0xFFFF8000  }
0x17a: {  	s0 =	sand.u32 $0xFFFFFC00, s0;
	_ =	swait.ge [sflag:s24], $0x8000  }
0x17b: {  	s31 =	sand.u32 $0x70, s31;
	s0 =	sadd.s32 s4, s0;
	[sflag:s24] =	ssyncset.done $0x0  }
0x17c: {  	s0 =	sor.u32 s31, s0;
	[sflag:s24] =	ssyncadd.s32 $0xFFFF8000  }
0x17d: {  	s0 =	sor.u32 s5, s0;
	_ =	swait.ge [sflag:s24], $0x8000  }
0x17e: {  	s0 =	sshrl.u32 s0, $0x3;
	[sflag:s24] =	ssyncset.done $0x0  }
0x17f: {  	s25 =	sshll.u32 s25, $0x7;
	s0 =	sadd.s32 s2, s0;
	[sflag:s24] =	ssyncadd.s32 $0xFFFF8000  }
0x180: {  	[hbm4b:s0+s3] =	stream.linear.scatter [tilespmem:s23], [sflag:$0x3], $0x10, $0x38;
	[tilespmem:$0x18080] =	vst v63  }
0x181: {  	s0 =	sand.u32 $0xFFFFFC00, s25  }
0x182: {  	s1 =	sand.u32 $0x70, s1;
	s0 =	sadd.s32 s4, s0  }
0x183: {  	s0 =	sor.u32 s1, s0  }
0x184: {  	s0 =	sor.u32 s8, s0  }
0x185: {  	s0 =	sshrl.u32 s0, $0x3  }
0x186: {  	s31 =	simm.s32 $0x18010;
	s1 =	sshll.u32 s28, $0x7;
	s0 =	sadd.s32 s2, s0  }
0x187: {  	[hbm4b:s0+s3] =	stream.linear.scatter [tilespmem:s31], [sflag:$0x3], $0x10, $0x38;
	[tilespmem:$0x18080] =	vst v63  }
0x188: {  	s0 =	sand.u32 $0xFFFFFC00, s1  }
0x189: {  	s7 =	sand.u32 $0x70, s26;
	s0 =	sadd.s32 s4, s0  }
0x18a: {  	s0 =	sor.u32 s7, s0  }
0x18b: {  	s0 =	sor.u32 s9, s0  }
0x18c: {  	s0 =	sshrl.u32 s0, $0x3  }
0x18d: {  	s26 =	sshll.u32 s6, $0x7;
	s25 =	simm.s32 $0x18020;
	s0 =	sadd.s32 s2, s0  }
0x18e: {  	[hbm4b:s0+s3] =	stream.linear.scatter [tilespmem:s25], [sflag:$0x3], $0x10, $0x38;
	[tilespmem:$0x18080] =	vst v63  }
0x18f: {  	s0 =	sand.u32 $0xFFFFFC00, s26  }
0x190: {  	s28 =	sand.u32 $0x70, s22;
	s0 =	sadd.s32 s4, s0  }
0x191: {  	s0 =	sor.u32 s28, s0  }
0x192: {  	s0 =	sor.u32 s10, s0  }
0x193: {  	s0 =	sshrl.u32 s0, $0x3  }
0x194: {  	s31 =	simm.s32 $0x18030;
	s0 =	sadd.s32 s2, s0  }
0x195: {  	[hbm4b:s0+s3] =	stream.linear.scatter [tilespmem:s31], [sflag:$0x3], $0x10, $0x38;
	[tilespmem:$0x18080] =	vst v63  }
0x196: {  	_ =	swait.ge [sflag:s29], $0x10  }
0x197: {  	[sflag:s29] =	ssyncset.done $0x0  }
0x198: {  	[sflag:s29] =	ssyncadd.s32 $0xFFFFFFF0  }
0x199: {  	_ =	swait.ge [sflag:s29], $0x10  }
0x19a: {  	[sflag:s29] =	ssyncset.done $0x0  }
0x19b: {  	s30 =	sadd.s32 $0x1, s30;
	[sflag:s29] =	ssyncadd.s32 $0xFFFFFFF0  }
0x19c: {  	p0 =	sne.s32 s30, s17;
	_ =	swait.ge [sflag:s29], $0x10  }
.Ltmp5:
0x19d: {  	[sflag:s29] =	ssyncset.done $0x0;
	(pc) =	sbr.rel @p0 .LBB2_1-.Ltmp5, $4  }
0x19e: {  	[sflag:s29] =	ssyncadd.s32 $0xFFFFFFF0  }
0x19f: {  	_ =	swait.ge [sflag:s29], $0x10  }
0x1a0: {  	[sflag:s29] =	ssyncset.done $0x0  }
0x1a1: {  	s22 =	simm.s32 $0x8000;
	[sflag:s29] =	ssyncadd.s32 $0xFFFFFFF0  }
0x1a2: {  	_ =	sfence.sel $0x180000  }
0x1a3: {  	[bflag:$0x0] =	sbarrier.arrive $0xFFFF  }
0x1a4: {  	_ =	strace $0x90000047  }
0x1a5: {  	s0 =	stileid.u32;
	[bflag:$0x2] =	sbarrier.arrive $0xFFFF  }
0x1a6: {  	p0 =	sne.s32 s0, $0x0;
	s0 =	rddreg [dreg:$0x2]  }
0x1a7: {  	s0 =	sadd.s32 @!p0 $0x100000, s0  }
0x1a8: {  	[sflag:s0] =	ssyncadd.tile.s32 @!p0 $0x1;
	_ =	shalt  }
.Lfunc_end2:
_tile_overlayer_lowered:
.L_overlay_start_2:
0x1a9: {  	(tag) =	ssettag $0x2  }
0x1aa: {  	s0 =	rddreg [dreg:$0x0];
	s2 =	stileid.u32  }
0x1ab: {  	s1 =	rddreg [dreg:$0x1];
	p0 =	sne.s32 s2, $0x0  }
0x1ac: {  	s3 =	rddreg [dreg:$0x2];
	[bflag:$0x3] =	sbarrier.arrive $0xFFFF;
	s2 =	simm.s32 @!p0 $0x1C04  }
0x1ad: {  	[timem:s3], [sflag:s2] =	dma.local @!p0 [hbm:s0], s1  }
0x1ae: {  	s0 =	simm.s32 @!p0 $0x4  }
0x1af: {  	_ =	swait.ge @!p0 [sflag:s0], s1  }
0x1b0: {  	s1 =	ssub.s32 @!p0 $0x0, s1;
	[sflag:s0] =	ssyncset.done @!p0 $0x0  }
0x1b1: {  	[sflag:s0] =	ssyncadd.s32 @!p0 s1  }
0x1b2: {  	[bflag:$0x3] =	sbarrier.arrive $0xFFFF  }
0x1b3: {  	_ =	shalt  }

</sc_bundles>
